<compile_context>
chip_gen: v7x
topology: tpu7x:2x2x1
jax: 0.10.2.dev20260603
libtpu: 0.0.44.dev20260713+nightly
codegen_flags: <defaults>
</compile_context>

<pallas_src>
import functools

import jax
import jax.numpy as jnp
from jax import lax
from jax.experimental import pallas as pl
from jax.experimental.pallas import tpu as pltpu
from jax.experimental.pallas import tpu_sc as plsc

N = 10000
E = 320000
H = 128
G = 8
C = 10

NC = 2
NS = 16
NW = NC * NS
BLK = 128
NBLK0 = 50
NBLK1 = 107
NBLKMX = NBLK1
E0 = NS * NBLK0 * BLK
E1_PAD = NS * NBLK1 * BLK
ROWS_PT = 640
N_PAD = NS * ROWS_PT
N_TAIL = N - (NS - 1) * ROWS_PT


def _edge_agg_sc(h, src_blocks, dst_blocks, zeros_blk):
    mesh = plsc.VectorSubcoreMesh(core_axis_name="c", subcore_axis_name="s")

    @functools.partial(
        pl.kernel,
        out_type=jax.ShapeDtypeStruct((NC, N, H), jnp.float32),
        mesh=mesh,
        scratch_types=[
            pltpu.VMEM((NBLKMX, BLK), jnp.int32),
            pltpu.VMEM((NBLKMX, BLK), jnp.int32),
            pltpu.VMEM((BLK, H), jnp.float32),
            pltpu.VMEM_SHARED((N_PAD, H), jnp.float32),
            pltpu.SemaphoreType.DMA,
        ],
    )
    def agg_kernel(h_hbm, src_hbm, dst_hbm, z_hbm, out_hbm,
                   src_v, dst_v, rows, acc_sh, sem_g):
        cid = lax.axis_index("c")
        sid = lax.axis_index("s")
        wid = cid * NS + sid

        pltpu.sync_copy(z_hbm, rows)
        for k in range(ROWS_PT // 128):
            pltpu.sync_copy(rows, acc_sh.at[pl.ds(sid * ROWS_PT + k * 128, 128)])
        plsc.subcore_barrier()

        pltpu.sync_copy(src_hbm.at[wid], src_v)
        pltpu.sync_copy(dst_hbm.at[wid], dst_v)

        def body(j, _):
            pltpu.async_copy(h_hbm.at[src_v.at[j]], rows, sem_g).wait()
            pltpu.sync_copy(rows, acc_sh.at[dst_v.at[j]], add=True)
            return ()

        nblk = jnp.where(cid == 0, NBLK0, NBLK1)
        lax.fori_loop(0, nblk, body, ())
        plsc.subcore_barrier()

        @pl.when(sid < NS - 1)
        def _():
            pltpu.sync_copy(acc_sh.at[pl.ds(sid * ROWS_PT, ROWS_PT)],
                            out_hbm.at[cid, pl.ds(sid * ROWS_PT, ROWS_PT)])

        @pl.when(sid == NS - 1)
        def _():
            pltpu.sync_copy(acc_sh.at[pl.ds((NS - 1) * ROWS_PT, N_TAIL)],
                            out_hbm.at[cid, pl.ds((NS - 1) * ROWS_PT, N_TAIL)])

    return agg_kernel(h, src_blocks, dst_blocks, zeros_blk)


def _onehots(brow, bcol):
    oh = (lax.broadcasted_iota(jnp.int32, (G, N), 0) == brow).astype(jnp.float32)
    ohT = (lax.broadcasted_iota(jnp.int32, (N, G), 1) == bcol).astype(jnp.float32)
    return oh, ohT


def _graph_norm_body(x, oh, ohT, w, b, a):
    cnt = jnp.maximum(jnp.sum(oh, axis=1, keepdims=True), 1.0)
    mean = jnp.dot(oh, x, preferred_element_type=jnp.float32) / cnt
    sub = x - a * jnp.dot(ohT, mean, preferred_element_type=jnp.float32)
    var = jnp.dot(oh, sub * sub, preferred_element_type=jnp.float32) / cnt
    rstd = lax.rsqrt(var + 1e-5)
    return w * sub * jnp.dot(ohT, rstd, preferred_element_type=jnp.float32) + b


def _mm_t(x, w):
    return lax.dot_general(x, w, (((1,), (1,)), ((), ())),
                           preferred_element_type=jnp.float32)


def _norm_tc(x, brow, bcol, w, b, a):
    def body(x_ref, br_ref, bc_ref, w_ref, b_ref, a_ref, o_ref):
        oh, ohT = _onehots(br_ref[...], bc_ref[...])
        o_ref[...] = _graph_norm_body(x_ref[...], oh, ohT,
                                      w_ref[...], b_ref[...], a_ref[...])

    return pl.pallas_call(
        body, out_shape=jax.ShapeDtypeStruct((N, H), jnp.float32),
    )(x, brow, bcol, w, b, a)


def _conv_norm_tc(aggs, h, Wr, br, Wt, w, b, a, brow, bcol):
    def body(ag_ref, h_ref, Wr_ref, br_ref, Wt_ref, w_ref, b_ref, a_ref,
             brr_ref, bcc_ref, o_ref):
        agg = ag_ref[0] + ag_ref[1]
        conv = _mm_t(agg, Wr_ref[...]) + br_ref[...] + _mm_t(h_ref[...], Wt_ref[...])
        h1 = jnp.maximum(conv, 0.0)
        oh, ohT = _onehots(brr_ref[...], bcc_ref[...])
        o_ref[...] = _graph_norm_body(h1, oh, ohT,
                                      w_ref[...], b_ref[...], a_ref[...])

    return pl.pallas_call(
        body, out_shape=jax.ShapeDtypeStruct((N, H), jnp.float32),
    )(aggs, h, Wr, br, Wt, w, b, a, brow, bcol)


def _final_tc(aggs, h, Wr, br, Wt, brow, dW, db, oW, ob):
    def body(ag_ref, h_ref, Wr_ref, br_ref, Wt_ref, brr_ref,
             dW_ref, db_ref, oW_ref, ob_ref, o_ref):
        agg = ag_ref[0] + ag_ref[1]
        conv = _mm_t(agg, Wr_ref[...]) + br_ref[...] + _mm_t(h_ref[...], Wt_ref[...])
        h3 = jnp.maximum(conv, 0.0)
        oh = (lax.broadcasted_iota(jnp.int32, (G, N), 0) == brr_ref[...]
              ).astype(jnp.float32)
        cnt = jnp.maximum(jnp.sum(oh, axis=1, keepdims=True), 1.0)
        pooled = jnp.dot(oh, h3, preferred_element_type=jnp.float32) / cnt
        d = jnp.maximum(_mm_t(pooled, dW_ref[...]) + db_ref[...], 0.0)
        logits = _mm_t(d, oW_ref[...]) + ob_ref[...]
        m = jnp.max(logits, axis=1, keepdims=True)
        e = jnp.exp(logits - m)
        o_ref[...] = e / jnp.sum(e, axis=1, keepdims=True)

    return pl.pallas_call(
        body, out_shape=jax.ShapeDtypeStruct((G, C), jnp.float32),
    )(aggs, h, Wr, br, Wt, brow, dW, db, oW, ob)


def kernel(x, edge_index, batch, gn0_w, gn0_b, gn0_a, W1r, b1r, W1t,
           gn1_w, gn1_b, gn1_a, W2r, b2r, W2t, gn2_w, gn2_b, gn2_a,
           W3r, b3r, W3t, dW, db, oW, ob):
    pad1 = E1_PAD - (E - E0)
    tail0 = NBLKMX - NBLK0
    pad_dst = N + (jnp.arange(pad1, dtype=jnp.int32) % (N_PAD - N))
    src0 = jnp.concatenate(
        [edge_index[0, :E0].reshape(NS, NBLK0, BLK),
         jnp.zeros((NS, tail0, BLK), jnp.int32)], axis=1)
    src1 = jnp.concatenate(
        [edge_index[0, E0:], jnp.zeros((pad1,), jnp.int32)]).reshape(NS, NBLK1, BLK)
    dst0 = jnp.concatenate(
        [edge_index[1, :E0].reshape(NS, NBLK0, BLK),
         jnp.full((NS, tail0, BLK), N, jnp.int32)], axis=1)
    dst1 = jnp.concatenate(
        [edge_index[1, E0:], pad_dst]).reshape(NS, NBLK1, BLK)
    src_blocks = jnp.concatenate([src0, src1], axis=0)
    dst_blocks = jnp.concatenate([dst0, dst1], axis=0)
    zeros_blk = jnp.zeros((128, H), jnp.float32)
    brow = batch.reshape(1, N)
    bcol = batch.reshape(N, 1)

    def row(v):
        return v.reshape(1, -1)

    h0 = _norm_tc(x, brow, bcol, row(gn0_w), row(gn0_b), row(gn0_a))
    a1 = _edge_agg_sc(h0, src_blocks, dst_blocks, zeros_blk)
    h1 = _conv_norm_tc(a1, h0, W1r, row(b1r), W1t,
                       row(gn1_w), row(gn1_b), row(gn1_a), brow, bcol)
    a2 = _edge_agg_sc(h1, src_blocks, dst_blocks, zeros_blk)
    h2 = _conv_norm_tc(a2, h1, W2r, row(b2r), W2t,
                       row(gn2_w), row(gn2_b), row(gn2_a), brow, bcol)
    a3 = _edge_agg_sc(h2, src_blocks, dst_blocks, zeros_blk)
    return _final_tc(a3, h2, W3r, row(b3r), W3t, brow, dW, row(db), oW, row(ob))

# --- scband reference (transcript-rebuilt; emitter-appended) ---
"""Pipeline reference for scband-gnn-31903017075239 (READ-ONLY COPY).

The authoritative reference and input builder live on the scoring server;
editing this copy changes nothing except your own understanding.
"""

import jax, jax.numpy as jnp
import numpy as np

N = 10000
E = 320000
F_IN = 128
H = 128
C = 10
G = 8


def _graph_norm(x, batch, w, b, a, num_graphs):
    cnt = jnp.maximum(jax.ops.segment_sum(jnp.ones((x.shape[0],), x.dtype), batch, num_segments=num_graphs), 1.0)
    mean = jax.ops.segment_sum(x, batch, num_segments=num_graphs) / cnt[:, None]
    sub = x - a * mean[batch]
    var = jax.ops.segment_sum(sub * sub, batch, num_segments=num_graphs) / cnt[:, None]
    std = jnp.sqrt(var + 1e-5)
    return w * sub / std[batch] + b


def _graph_conv(x, edge_index, Wr, br, Wt):
    # PyG GraphConv: out = lin_rel(sum_{j->i} x_j) + lin_root(x)
    src = edge_index[0]
    dst = edge_index[1]
    agg = jax.ops.segment_sum(x[src], dst, num_segments=x.shape[0])
    return agg @ Wr.T + br + x @ Wt.T


def setup_inputs(seed: int = 0) -> dict:
    key = jax.random.key(seed)
    ks = jax.random.split(key, 16)

    def lin(k, o, i):
        return (jax.random.normal(k, (o, i), jnp.float32) * (1.0 / np.sqrt(i)))

    inp = {}
    inp["x"] = jax.random.normal(ks[0], (N, F_IN), jnp.float32)
    inp["edge_index"] = jax.random.randint(ks[1], (2, E), 0, N, dtype=jnp.int32)
    inp["batch"] = jnp.sort(jax.random.randint(ks[2], (N,), 0, G, dtype=jnp.int32))
    inp["gn0_w"] = jnp.ones((F_IN,), jnp.float32)
    inp["gn0_b"] = jnp.zeros((F_IN,), jnp.float32)
    inp["gn0_a"] = jnp.ones((F_IN,), jnp.float32)
    inp["W1r"] = lin(ks[3], H, F_IN)
    inp["b1r"] = jnp.zeros((H,), jnp.float32)
    inp["W1t"] = lin(ks[4], H, F_IN)
    inp["gn1_w"] = jnp.ones((H,), jnp.float32)
    inp["gn1_b"] = jnp.zeros((H,), jnp.float32)
    inp["gn1_a"] = jnp.ones((H,), jnp.float32)
    inp["W2r"] = lin(ks[5], H, H)
    inp["b2r"] = jnp.zeros((H,), jnp.float32)
    inp["W2t"] = lin(ks[6], H, H)
    inp["gn2_w"] = jnp.ones((H,), jnp.float32)
    inp["gn2_b"] = jnp.zeros((H,), jnp.float32)
    inp["gn2_a"] = jnp.ones((H,), jnp.float32)
    inp["W3r"] = lin(ks[7], H, H)
    inp["b3r"] = jnp.zeros((H,), jnp.float32)
    inp["W3t"] = lin(ks[8], H, H)
    inp["dW"] = lin(ks[9], H, H)
    inp["db"] = jnp.zeros((H,), jnp.float32)
    inp["oW"] = lin(ks[10], C, H)
    inp["ob"] = jnp.zeros((C,), jnp.float32)
    return inp


def reference(x, edge_index, batch, gn0_w, gn0_b, gn0_a, W1r, b1r, W1t, gn1_w, gn1_b, gn1_a, W2r, b2r, W2t, gn2_w, gn2_b, gn2_a, W3r, b3r, W3t, dW, db, oW, ob):
    h = _graph_norm(x, batch, gn0_w, gn0_b, gn0_a, G)
    h = jax.nn.relu(_graph_conv(h, edge_index, W1r, b1r, W1t))
    h = _graph_norm(h, batch, gn1_w, gn1_b, gn1_a, G)
    h = jax.nn.relu(_graph_conv(h, edge_index, W2r, b2r, W2t))
    h = _graph_norm(h, batch, gn2_w, gn2_b, gn2_a, G)
    h = jax.nn.relu(_graph_conv(h, edge_index, W3r, b3r, W3t))
    cnt = jnp.maximum(jax.ops.segment_sum(jnp.ones((h.shape[0],), h.dtype), batch, num_segments=G), 1.0)
    pooled = jax.ops.segment_sum(h, batch, num_segments=G) / cnt[:, None]
    # F.dropout with training=False is identity (eval mode)
    d = jax.nn.relu(pooled @ dW.T + db)
    logits = d @ oW.T + ob
    return jax.nn.softmax(logits, axis=1)

if __name__ == "__main__":
    import jax
    _d = setup_inputs()
    print(jax.jit(kernel)(*tuple(_d.values())))

</pallas_src>

<mosaic_0001>
#map = affine_map<(d0, d1) -> (0, 0)>
#map1 = affine_map<(d0, d1) -> (0, 0, 0)>
module attributes {stable_mosaic.version = 14 : i64} {
  func.func @agg_kernel(%arg0: i32, %arg1: i32, %arg2: memref<10000x128xf32, #tpu.memory_space<hbm>>, %arg3: memref<32x107x128xi32, #tpu.memory_space<hbm>>, %arg4: memref<32x107x128xi32, #tpu.memory_space<hbm>>, %arg5: memref<128x128xf32, #tpu.memory_space<hbm>>, %arg6: memref<2x10000x128xf32, #tpu.memory_space<hbm>>, %arg7: memref<107x128xi32, #tpu.memory_space<vmem>>, %arg8: memref<107x128xi32, #tpu.memory_space<vmem>>, %arg9: memref<128x128xf32, #tpu.memory_space<vmem>>, %arg10: memref<10240x128xf32, #tpu.memory_space<vmem_shared>>, %arg11: memref<!tpu.dma_semaphore, #tpu.memory_space<semaphore_mem>>) attributes {dimension_semantics = [#tpu.dimension_semantics<core_parallel>, #tpu.dimension_semantics<subcore_parallel>], iteration_bounds = array<i64: 2, 16>, scalar_prefetch = 0 : i64, scratch_operands = 5 : i64, tpu.core_type = #tpu.core_type<sc_vector_subcore>, window_params = [{transform_indices = #map}, {transform_indices = #map1}, {transform_indices = #map1}, {transform_indices = #map}, {transform_indices = #map1}]} {
    %mul3A = arith.constant 16 : i32
    %mul3A_0 = arith.muli %arg0, %mul3A : i32
    %add3A = arith.addi %mul3A_0, %arg1 : i32
    "tpu.region"() ({
      %run_scoped3A = tpu.sem_alloc : memref<!tpu.dma_semaphore, #tpu.memory_space<semaphore_mem>>
      tpu.enqueue_dma source(%arg5 : memref<128x128xf32, #tpu.memory_space<hbm>>) target(%arg9 : memref<128x128xf32, #tpu.memory_space<vmem>>) target_semaphore(%run_scoped3A : memref<!tpu.dma_semaphore, #tpu.memory_space<semaphore_mem>>)
      tpu.wait_dma2 semaphore(%run_scoped3A : memref<!tpu.dma_semaphore, #tpu.memory_space<semaphore_mem>>) src(%arg5 : memref<128x128xf32, #tpu.memory_space<hbm>>) dst(%arg9 : memref<128x128xf32, #tpu.memory_space<vmem>>)
      tpu.yield
    }) : () -> ()
    %mul3A_1 = arith.constant 640 : i32
    %mul3A_2 = arith.muli %arg1, %mul3A_1 : i32
    %add3A_3 = arith.constant 0 : i32
    %add3A_4 = arith.addi %mul3A_2, %add3A_3 : i32
    "tpu.region"() ({
      %run_scoped3A = tpu.sem_alloc : memref<!tpu.dma_semaphore, #tpu.memory_space<semaphore_mem>>
      %dma_start3A = arith.constant 0 : i32
      %dma_start3A_39 = tpu.memref_slice %arg10[%add3A_4, %dma_start3A] : memref<10240x128xf32, #tpu.memory_space<vmem_shared>> -> memref<128x128xf32, #tpu.memory_space<vmem_shared>>
      %dma_start3A_40 = arith.constant 0 : i32
      %dma_start3A_41 = tpu.memref_slice %arg10[%add3A_4, %dma_start3A_40] : memref<10240x128xf32, #tpu.memory_space<vmem_shared>> -> memref<128x128xf32, #tpu.memory_space<vmem_shared>>
      tpu.enqueue_dma source(%arg9 : memref<128x128xf32, #tpu.memory_space<vmem>>) target(%dma_start3A_41 : memref<128x128xf32, #tpu.memory_space<vmem_shared>>) target_semaphore(%run_scoped3A : memref<!tpu.dma_semaphore, #tpu.memory_space<semaphore_mem>>)
      %dma_wait3A = arith.constant 0 : i32
      %dma_wait3A_42 = tpu.memref_slice %arg10[%add3A_4, %dma_wait3A] : memref<10240x128xf32, #tpu.memory_space<vmem_shared>> -> memref<128x128xf32, #tpu.memory_space<vmem_shared>>
      %dma_wait3A_43 = arith.constant 0 : i32
      %dma_wait3A_44 = tpu.memref_slice %arg10[%add3A_4, %dma_wait3A_43] : memref<10240x128xf32, #tpu.memory_space<vmem_shared>> -> memref<128x128xf32, #tpu.memory_space<vmem_shared>>
      tpu.wait_dma2 semaphore(%run_scoped3A : memref<!tpu.dma_semaphore, #tpu.memory_space<semaphore_mem>>) src(%arg9 : memref<128x128xf32, #tpu.memory_space<vmem>>) dst(%dma_wait3A_44 : memref<128x128xf32, #tpu.memory_space<vmem_shared>>)
      tpu.yield
    }) : () -> ()
    %mul3A_5 = arith.constant 640 : i32
    %mul3A_6 = arith.muli %arg1, %mul3A_5 : i32
    %add3A_7 = arith.constant 128 : i32
    %add3A_8 = arith.addi %mul3A_6, %add3A_7 : i32
    "tpu.region"() ({
      %run_scoped3A = tpu.sem_alloc : memref<!tpu.dma_semaphore, #tpu.memory_space<semaphore_mem>>
      %dma_start3A = arith.constant 0 : i32
      %dma_start3A_39 = tpu.memref_slice %arg10[%add3A_8, %dma_start3A] : memref<10240x128xf32, #tpu.memory_space<vmem_shared>> -> memref<128x128xf32, #tpu.memory_space<vmem_shared>>
      %dma_start3A_40 = arith.constant 0 : i32
      %dma_start3A_41 = tpu.memref_slice %arg10[%add3A_8, %dma_start3A_40] : memref<10240x128xf32, #tpu.memory_space<vmem_shared>> -> memref<128x128xf32, #tpu.memory_space<vmem_shared>>
      tpu.enqueue_dma source(%arg9 : memref<128x128xf32, #tpu.memory_space<vmem>>) target(%dma_start3A_41 : memref<128x128xf32, #tpu.memory_space<vmem_shared>>) target_semaphore(%run_scoped3A : memref<!tpu.dma_semaphore, #tpu.memory_space<semaphore_mem>>)
      %dma_wait3A = arith.constant 0 : i32
      %dma_wait3A_42 = tpu.memref_slice %arg10[%add3A_8, %dma_wait3A] : memref<10240x128xf32, #tpu.memory_space<vmem_shared>> -> memref<128x128xf32, #tpu.memory_space<vmem_shared>>
      %dma_wait3A_43 = arith.constant 0 : i32
      %dma_wait3A_44 = tpu.memref_slice %arg10[%add3A_8, %dma_wait3A_43] : memref<10240x128xf32, #tpu.memory_space<vmem_shared>> -> memref<128x128xf32, #tpu.memory_space<vmem_shared>>
      tpu.wait_dma2 semaphore(%run_scoped3A : memref<!tpu.dma_semaphore, #tpu.memory_space<semaphore_mem>>) src(%arg9 : memref<128x128xf32, #tpu.memory_space<vmem>>) dst(%dma_wait3A_44 : memref<128x128xf32, #tpu.memory_space<vmem_shared>>)
      tpu.yield
    }) : () -> ()
    %mul3A_9 = arith.constant 640 : i32
    %mul3A_10 = arith.muli %arg1, %mul3A_9 : i32
    %add3A_11 = arith.constant 256 : i32
    %add3A_12 = arith.addi %mul3A_10, %add3A_11 : i32
    "tpu.region"() ({
      %run_scoped3A = tpu.sem_alloc : memref<!tpu.dma_semaphore, #tpu.memory_space<semaphore_mem>>
      %dma_start3A = arith.constant 0 : i32
      %dma_start3A_39 = tpu.memref_slice %arg10[%add3A_12, %dma_start3A] : memref<10240x128xf32, #tpu.memory_space<vmem_shared>> -> memref<128x128xf32, #tpu.memory_space<vmem_shared>>
      %dma_start3A_40 = arith.constant 0 : i32
      %dma_start3A_41 = tpu.memref_slice %arg10[%add3A_12, %dma_start3A_40] : memref<10240x128xf32, #tpu.memory_space<vmem_shared>> -> memref<128x128xf32, #tpu.memory_space<vmem_shared>>
      tpu.enqueue_dma source(%arg9 : memref<128x128xf32, #tpu.memory_space<vmem>>) target(%dma_start3A_41 : memref<128x128xf32, #tpu.memory_space<vmem_shared>>) target_semaphore(%run_scoped3A : memref<!tpu.dma_semaphore, #tpu.memory_space<semaphore_mem>>)
      %dma_wait3A = arith.constant 0 : i32
      %dma_wait3A_42 = tpu.memref_slice %arg10[%add3A_12, %dma_wait3A] : memref<10240x128xf32, #tpu.memory_space<vmem_shared>> -> memref<128x128xf32, #tpu.memory_space<vmem_shared>>
      %dma_wait3A_43 = arith.constant 0 : i32
      %dma_wait3A_44 = tpu.memref_slice %arg10[%add3A_12, %dma_wait3A_43] : memref<10240x128xf32, #tpu.memory_space<vmem_shared>> -> memref<128x128xf32, #tpu.memory_space<vmem_shared>>
      tpu.wait_dma2 semaphore(%run_scoped3A : memref<!tpu.dma_semaphore, #tpu.memory_space<semaphore_mem>>) src(%arg9 : memref<128x128xf32, #tpu.memory_space<vmem>>) dst(%dma_wait3A_44 : memref<128x128xf32, #tpu.memory_space<vmem_shared>>)
      tpu.yield
    }) : () -> ()
    %mul3A_13 = arith.constant 640 : i32
    %mul3A_14 = arith.muli %arg1, %mul3A_13 : i32
    %add3A_15 = arith.constant 384 : i32
    %add3A_16 = arith.addi %mul3A_14, %add3A_15 : i32
    "tpu.region"() ({
      %run_scoped3A = tpu.sem_alloc : memref<!tpu.dma_semaphore, #tpu.memory_space<semaphore_mem>>
      %dma_start3A = arith.constant 0 : i32
      %dma_start3A_39 = tpu.memref_slice %arg10[%add3A_16, %dma_start3A] : memref<10240x128xf32, #tpu.memory_space<vmem_shared>> -> memref<128x128xf32, #tpu.memory_space<vmem_shared>>
      %dma_start3A_40 = arith.constant 0 : i32
      %dma_start3A_41 = tpu.memref_slice %arg10[%add3A_16, %dma_start3A_40] : memref<10240x128xf32, #tpu.memory_space<vmem_shared>> -> memref<128x128xf32, #tpu.memory_space<vmem_shared>>
      tpu.enqueue_dma source(%arg9 : memref<128x128xf32, #tpu.memory_space<vmem>>) target(%dma_start3A_41 : memref<128x128xf32, #tpu.memory_space<vmem_shared>>) target_semaphore(%run_scoped3A : memref<!tpu.dma_semaphore, #tpu.memory_space<semaphore_mem>>)
      %dma_wait3A = arith.constant 0 : i32
      %dma_wait3A_42 = tpu.memref_slice %arg10[%add3A_16, %dma_wait3A] : memref<10240x128xf32, #tpu.memory_space<vmem_shared>> -> memref<128x128xf32, #tpu.memory_space<vmem_shared>>
      %dma_wait3A_43 = arith.constant 0 : i32
      %dma_wait3A_44 = tpu.memref_slice %arg10[%add3A_16, %dma_wait3A_43] : memref<10240x128xf32, #tpu.memory_space<vmem_shared>> -> memref<128x128xf32, #tpu.memory_space<vmem_shared>>
      tpu.wait_dma2 semaphore(%run_scoped3A : memref<!tpu.dma_semaphore, #tpu.memory_space<semaphore_mem>>) src(%arg9 : memref<128x128xf32, #tpu.memory_space<vmem>>) dst(%dma_wait3A_44 : memref<128x128xf32, #tpu.memory_space<vmem_shared>>)
      tpu.yield
    }) : () -> ()
    %mul3A_17 = arith.constant 640 : i32
    %mul3A_18 = arith.muli %arg1, %mul3A_17 : i32
    %add3A_19 = arith.constant 512 : i32
    %add3A_20 = arith.addi %mul3A_18, %add3A_19 : i32
    "tpu.region"() ({
      %run_scoped3A = tpu.sem_alloc : memref<!tpu.dma_semaphore, #tpu.memory_space<semaphore_mem>>
      %dma_start3A = arith.constant 0 : i32
      %dma_start3A_39 = tpu.memref_slice %arg10[%add3A_20, %dma_start3A] : memref<10240x128xf32, #tpu.memory_space<vmem_shared>> -> memref<128x128xf32, #tpu.memory_space<vmem_shared>>
      %dma_start3A_40 = arith.constant 0 : i32
      %dma_start3A_41 = tpu.memref_slice %arg10[%add3A_20, %dma_start3A_40] : memref<10240x128xf32, #tpu.memory_space<vmem_shared>> -> memref<128x128xf32, #tpu.memory_space<vmem_shared>>
      tpu.enqueue_dma source(%arg9 : memref<128x128xf32, #tpu.memory_space<vmem>>) target(%dma_start3A_41 : memref<128x128xf32, #tpu.memory_space<vmem_shared>>) target_semaphore(%run_scoped3A : memref<!tpu.dma_semaphore, #tpu.memory_space<semaphore_mem>>)
      %dma_wait3A = arith.constant 0 : i32
      %dma_wait3A_42 = tpu.memref_slice %arg10[%add3A_20, %dma_wait3A] : memref<10240x128xf32, #tpu.memory_space<vmem_shared>> -> memref<128x128xf32, #tpu.memory_space<vmem_shared>>
      %dma_wait3A_43 = arith.constant 0 : i32
      %dma_wait3A_44 = tpu.memref_slice %arg10[%add3A_20, %dma_wait3A_43] : memref<10240x128xf32, #tpu.memory_space<vmem_shared>> -> memref<128x128xf32, #tpu.memory_space<vmem_shared>>
      tpu.wait_dma2 semaphore(%run_scoped3A : memref<!tpu.dma_semaphore, #tpu.memory_space<semaphore_mem>>) src(%arg9 : memref<128x128xf32, #tpu.memory_space<vmem>>) dst(%dma_wait3A_44 : memref<128x128xf32, #tpu.memory_space<vmem_shared>>)
      tpu.yield
    }) : () -> ()
    %barrier3A = arith.constant 0 : index
    tpu.barrier barrier_id(%barrier3A)
    "tpu.region"() ({
      %run_scoped3A = tpu.sem_alloc : memref<!tpu.dma_semaphore, #tpu.memory_space<semaphore_mem>>
      %dma_start3A = arith.constant 0 : i32
      %dma_start3A_39 = arith.constant 0 : i32
      %dma_start3A_40 = tpu.memref_slice %arg3[%add3A, %dma_start3A, %dma_start3A_39] : memref<32x107x128xi32, #tpu.memory_space<hbm>> -> memref<1x107x128xi32, #tpu.memory_space<hbm>>
      %dma_start3A_41 = tpu.memref_squeeze %dma_start3A_40 : memref<1x107x128xi32, #tpu.memory_space<hbm>> -> memref<107x128xi32, #tpu.memory_space<hbm>>
      %dma_start3A_42 = arith.constant 0 : i32
      %dma_start3A_43 = arith.constant 0 : i32
      %dma_start3A_44 = tpu.memref_slice %arg3[%add3A, %dma_start3A_42, %dma_start3A_43] : memref<32x107x128xi32, #tpu.memory_space<hbm>> -> memref<1x107x128xi32, #tpu.memory_space<hbm>>
      %dma_start3A_45 = tpu.memref_squeeze %dma_start3A_44 : memref<1x107x128xi32, #tpu.memory_space<hbm>> -> memref<107x128xi32, #tpu.memory_space<hbm>>
      tpu.enqueue_dma source(%dma_start3A_45 : memref<107x128xi32, #tpu.memory_space<hbm>>) target(%arg7 : memref<107x128xi32, #tpu.memory_space<vmem>>) target_semaphore(%run_scoped3A : memref<!tpu.dma_semaphore, #tpu.memory_space<semaphore_mem>>)
      %dma_wait3A = arith.constant 0 : i32
      %dma_wait3A_46 = arith.constant 0 : i32
      %dma_wait3A_47 = tpu.memref_slice %arg3[%add3A, %dma_wait3A, %dma_wait3A_46] : memref<32x107x128xi32, #tpu.memory_space<hbm>> -> memref<1x107x128xi32, #tpu.memory_space<hbm>>
      %dma_wait3A_48 = tpu.memref_squeeze %dma_wait3A_47 : memref<1x107x128xi32, #tpu.memory_space<hbm>> -> memref<107x128xi32, #tpu.memory_space<hbm>>
      %dma_wait3A_49 = arith.constant 0 : i32
      %dma_wait3A_50 = arith.constant 0 : i32
      %dma_wait3A_51 = tpu.memref_slice %arg3[%add3A, %dma_wait3A_49, %dma_wait3A_50] : memref<32x107x128xi32, #tpu.memory_space<hbm>> -> memref<1x107x128xi32, #tpu.memory_space<hbm>>
      %dma_wait3A_52 = tpu.memref_squeeze %dma_wait3A_51 : memref<1x107x128xi32, #tpu.memory_space<hbm>> -> memref<107x128xi32, #tpu.memory_space<hbm>>
      tpu.wait_dma2 semaphore(%run_scoped3A : memref<!tpu.dma_semaphore, #tpu.memory_space<semaphore_mem>>) src(%dma_wait3A_52 : memref<107x128xi32, #tpu.memory_space<hbm>>) dst(%arg7 : memref<107x128xi32, #tpu.memory_space<vmem>>)
      tpu.yield
    }) : () -> ()
    "tpu.region"() ({
      %run_scoped3A = tpu.sem_alloc : memref<!tpu.dma_semaphore, #tpu.memory_space<semaphore_mem>>
      %dma_start3A = arith.constant 0 : i32
      %dma_start3A_39 = arith.constant 0 : i32
      %dma_start3A_40 = tpu.memref_slice %arg4[%add3A, %dma_start3A, %dma_start3A_39] : memref<32x107x128xi32, #tpu.memory_space<hbm>> -> memref<1x107x128xi32, #tpu.memory_space<hbm>>
      %dma_start3A_41 = tpu.memref_squeeze %dma_start3A_40 : memref<1x107x128xi32, #tpu.memory_space<hbm>> -> memref<107x128xi32, #tpu.memory_space<hbm>>
      %dma_start3A_42 = arith.constant 0 : i32
      %dma_start3A_43 = arith.constant 0 : i32
      %dma_start3A_44 = tpu.memref_slice %arg4[%add3A, %dma_start3A_42, %dma_start3A_43] : memref<32x107x128xi32, #tpu.memory_space<hbm>> -> memref<1x107x128xi32, #tpu.memory_space<hbm>>
      %dma_start3A_45 = tpu.memref_squeeze %dma_start3A_44 : memref<1x107x128xi32, #tpu.memory_space<hbm>> -> memref<107x128xi32, #tpu.memory_space<hbm>>
      tpu.enqueue_dma source(%dma_start3A_45 : memref<107x128xi32, #tpu.memory_space<hbm>>) target(%arg8 : memref<107x128xi32, #tpu.memory_space<vmem>>) target_semaphore(%run_scoped3A : memref<!tpu.dma_semaphore, #tpu.memory_space<semaphore_mem>>)
      %dma_wait3A = arith.constant 0 : i32
      %dma_wait3A_46 = arith.constant 0 : i32
      %dma_wait3A_47 = tpu.memref_slice %arg4[%add3A, %dma_wait3A, %dma_wait3A_46] : memref<32x107x128xi32, #tpu.memory_space<hbm>> -> memref<1x107x128xi32, #tpu.memory_space<hbm>>
      %dma_wait3A_48 = tpu.memref_squeeze %dma_wait3A_47 : memref<1x107x128xi32, #tpu.memory_space<hbm>> -> memref<107x128xi32, #tpu.memory_space<hbm>>
      %dma_wait3A_49 = arith.constant 0 : i32
      %dma_wait3A_50 = arith.constant 0 : i32
      %dma_wait3A_51 = tpu.memref_slice %arg4[%add3A, %dma_wait3A_49, %dma_wait3A_50] : memref<32x107x128xi32, #tpu.memory_space<hbm>> -> memref<1x107x128xi32, #tpu.memory_space<hbm>>
      %dma_wait3A_52 = tpu.memref_squeeze %dma_wait3A_51 : memref<1x107x128xi32, #tpu.memory_space<hbm>> -> memref<107x128xi32, #tpu.memory_space<hbm>>
      tpu.wait_dma2 semaphore(%run_scoped3A : memref<!tpu.dma_semaphore, #tpu.memory_space<semaphore_mem>>) src(%dma_wait3A_52 : memref<107x128xi32, #tpu.memory_space<hbm>>) dst(%arg8 : memref<107x128xi32, #tpu.memory_space<vmem>>)
      tpu.yield
    }) : () -> ()
    %eq3A = arith.constant 0 : i32
    %eq3A_21 = arith.cmpi eq, %arg0, %eq3A : i32
    %jit3A = arith.constant 50 : i32
    %jit3A_22 = arith.constant 107 : i32
    %select_n3A = arith.select %eq3A_21, %jit3A, %jit3A_22 : i32
    %while3A = arith.constant 0 : i32
    %while3A_23 = arith.subi %select_n3A, %while3A : i32
    %while3A_24 = arith.addi %while3A, %while3A_23 : i32
    %while3A_25 = arith.constant 1 : i32
    %while3A_26 = arith.divsi %while3A_23, %while3A_25 : i32
    %while3A_27 = arith.muli %while3A_26, %while3A_25 : i32
    %while3A_28 = arith.addi %while3A, %while3A_27 : i32
    %while3A_29 = arith.constant 1 : i32
    scf.for %while3A_39 = %while3A to %while3A_28 step %while3A_29  : i32 {
      %dma_start3A = arith.constant 0 : i32
      %dma_start3A_40 = tpu.memref_slice %arg7[%while3A_39, %dma_start3A] : memref<107x128xi32, #tpu.memory_space<vmem>> -> memref<1x128xi32, #tpu.memory_space<vmem>>
      %dma_start3A_41 = tpu.memref_squeeze %dma_start3A_40 : memref<1x128xi32, #tpu.memory_space<vmem>> -> memref<128xi32, #tpu.memory_space<vmem>>
      %dma_start3A_42 = arith.constant 0 : i32
      %dma_start3A_43 = arith.constant 0 : i32
      %dma_start3A_44 = tpu.memref_slice %arg2[%dma_start3A_42, %dma_start3A_43] : memref<10000x128xf32, #tpu.memory_space<hbm>> -> memref<10000x128xf32, #tpu.memory_space<hbm>>
      tpu.enqueue_indirect_dma source(%dma_start3A_44 : memref<10000x128xf32, #tpu.memory_space<hbm>>) target(%arg9 : memref<128x128xf32, #tpu.memory_space<vmem>>) offsets(%dma_start3A_41 : memref<128xi32, #tpu.memory_space<vmem>>) semaphore(%arg11 : memref<!tpu.dma_semaphore, #tpu.memory_space<semaphore_mem>>)
      %dma_wait3A = arith.constant 0 : i32
      %dma_wait3A_45 = tpu.memref_slice %arg7[%while3A_39, %dma_wait3A] : memref<107x128xi32, #tpu.memory_space<vmem>> -> memref<1x128xi32, #tpu.memory_space<vmem>>
      %dma_wait3A_46 = tpu.memref_squeeze %dma_wait3A_45 : memref<1x128xi32, #tpu.memory_space<vmem>> -> memref<128xi32, #tpu.memory_space<vmem>>
      %dma_wait3A_47 = arith.constant 0 : i32
      %dma_wait3A_48 = arith.constant 0 : i32
      %dma_wait3A_49 = tpu.memref_slice %arg2[%dma_wait3A_47, %dma_wait3A_48] : memref<10000x128xf32, #tpu.memory_space<hbm>> -> memref<10000x128xf32, #tpu.memory_space<hbm>>
      tpu.wait_indirect_dma semaphore(%arg11 : memref<!tpu.dma_semaphore, #tpu.memory_space<semaphore_mem>>) src(%dma_wait3A_49 : memref<10000x128xf32, #tpu.memory_space<hbm>>) dst(%arg9 : memref<128x128xf32, #tpu.memory_space<vmem>>)
      "tpu.region"() ({
        %run_scoped3A = tpu.sem_alloc : memref<!tpu.dma_semaphore, #tpu.memory_space<semaphore_mem>>
        %dma_start3A_50 = arith.constant 0 : i32
        %dma_start3A_51 = tpu.memref_slice %arg8[%while3A_39, %dma_start3A_50] : memref<107x128xi32, #tpu.memory_space<vmem>> -> memref<1x128xi32, #tpu.memory_space<vmem>>
        %dma_start3A_52 = tpu.memref_squeeze %dma_start3A_51 : memref<1x128xi32, #tpu.memory_space<vmem>> -> memref<128xi32, #tpu.memory_space<vmem>>
        %dma_start3A_53 = arith.constant 0 : i32
        %dma_start3A_54 = arith.constant 0 : i32
        %dma_start3A_55 = tpu.memref_slice %arg10[%dma_start3A_53, %dma_start3A_54] : memref<10240x128xf32, #tpu.memory_space<vmem_shared>> -> memref<10240x128xf32, #tpu.memory_space<vmem_shared>>
        tpu.enqueue_indirect_dma source(%arg9 : memref<128x128xf32, #tpu.memory_space<vmem>>) target(%dma_start3A_55 : memref<10240x128xf32, #tpu.memory_space<vmem_shared>>) offsets(%dma_start3A_52 : memref<128xi32, #tpu.memory_space<vmem>>) semaphore(%run_scoped3A : memref<!tpu.dma_semaphore, #tpu.memory_space<semaphore_mem>>) {add = true}
        %dma_wait3A_56 = arith.constant 0 : i32
        %dma_wait3A_57 = tpu.memref_slice %arg8[%while3A_39, %dma_wait3A_56] : memref<107x128xi32, #tpu.memory_space<vmem>> -> memref<1x128xi32, #tpu.memory_space<vmem>>
        %dma_wait3A_58 = tpu.memref_squeeze %dma_wait3A_57 : memref<1x128xi32, #tpu.memory_space<vmem>> -> memref<128xi32, #tpu.memory_space<vmem>>
        %dma_wait3A_59 = arith.constant 0 : i32
        %dma_wait3A_60 = arith.constant 0 : i32
        %dma_wait3A_61 = tpu.memref_slice %arg10[%dma_wait3A_59, %dma_wait3A_60] : memref<10240x128xf32, #tpu.memory_space<vmem_shared>> -> memref<10240x128xf32, #tpu.memory_space<vmem_shared>>
        tpu.wait_indirect_dma semaphore(%run_scoped3A : memref<!tpu.dma_semaphore, #tpu.memory_space<semaphore_mem>>) src(%arg9 : memref<128x128xf32, #tpu.memory_space<vmem>>) dst(%dma_wait3A_61 : memref<10240x128xf32, #tpu.memory_space<vmem_shared>>)
        tpu.yield
      }) : () -> ()
    }
    %while3A_30 = arith.constant 1 : i32
    scf.for %while3A_39 = %while3A_28 to %while3A_24 step %while3A_30  : i32 {
      %dma_start3A = arith.constant 0 : i32
      %dma_start3A_40 = tpu.memref_slice %arg7[%while3A_39, %dma_start3A] : memref<107x128xi32, #tpu.memory_space<vmem>> -> memref<1x128xi32, #tpu.memory_space<vmem>>
      %dma_start3A_41 = tpu.memref_squeeze %dma_start3A_40 : memref<1x128xi32, #tpu.memory_space<vmem>> -> memref<128xi32, #tpu.memory_space<vmem>>
      %dma_start3A_42 = arith.constant 0 : i32
      %dma_start3A_43 = arith.constant 0 : i32
      %dma_start3A_44 = tpu.memref_slice %arg2[%dma_start3A_42, %dma_start3A_43] : memref<10000x128xf32, #tpu.memory_space<hbm>> -> memref<10000x128xf32, #tpu.memory_space<hbm>>
      tpu.enqueue_indirect_dma source(%dma_start3A_44 : memref<10000x128xf32, #tpu.memory_space<hbm>>) target(%arg9 : memref<128x128xf32, #tpu.memory_space<vmem>>) offsets(%dma_start3A_41 : memref<128xi32, #tpu.memory_space<vmem>>) semaphore(%arg11 : memref<!tpu.dma_semaphore, #tpu.memory_space<semaphore_mem>>)
      %dma_wait3A = arith.constant 0 : i32
      %dma_wait3A_45 = tpu.memref_slice %arg7[%while3A_39, %dma_wait3A] : memref<107x128xi32, #tpu.memory_space<vmem>> -> memref<1x128xi32, #tpu.memory_space<vmem>>
      %dma_wait3A_46 = tpu.memref_squeeze %dma_wait3A_45 : memref<1x128xi32, #tpu.memory_space<vmem>> -> memref<128xi32, #tpu.memory_space<vmem>>
      %dma_wait3A_47 = arith.constant 0 : i32
      %dma_wait3A_48 = arith.constant 0 : i32
      %dma_wait3A_49 = tpu.memref_slice %arg2[%dma_wait3A_47, %dma_wait3A_48] : memref<10000x128xf32, #tpu.memory_space<hbm>> -> memref<10000x128xf32, #tpu.memory_space<hbm>>
      tpu.wait_indirect_dma semaphore(%arg11 : memref<!tpu.dma_semaphore, #tpu.memory_space<semaphore_mem>>) src(%dma_wait3A_49 : memref<10000x128xf32, #tpu.memory_space<hbm>>) dst(%arg9 : memref<128x128xf32, #tpu.memory_space<vmem>>)
      "tpu.region"() ({
        %run_scoped3A = tpu.sem_alloc : memref<!tpu.dma_semaphore, #tpu.memory_space<semaphore_mem>>
        %dma_start3A_50 = arith.constant 0 : i32
        %dma_start3A_51 = tpu.memref_slice %arg8[%while3A_39, %dma_start3A_50] : memref<107x128xi32, #tpu.memory_space<vmem>> -> memref<1x128xi32, #tpu.memory_space<vmem>>
        %dma_start3A_52 = tpu.memref_squeeze %dma_start3A_51 : memref<1x128xi32, #tpu.memory_space<vmem>> -> memref<128xi32, #tpu.memory_space<vmem>>
        %dma_start3A_53 = arith.constant 0 : i32
        %dma_start3A_54 = arith.constant 0 : i32
        %dma_start3A_55 = tpu.memref_slice %arg10[%dma_start3A_53, %dma_start3A_54] : memref<10240x128xf32, #tpu.memory_space<vmem_shared>> -> memref<10240x128xf32, #tpu.memory_space<vmem_shared>>
        tpu.enqueue_indirect_dma source(%arg9 : memref<128x128xf32, #tpu.memory_space<vmem>>) target(%dma_start3A_55 : memref<10240x128xf32, #tpu.memory_space<vmem_shared>>) offsets(%dma_start3A_52 : memref<128xi32, #tpu.memory_space<vmem>>) semaphore(%run_scoped3A : memref<!tpu.dma_semaphore, #tpu.memory_space<semaphore_mem>>) {add = true}
        %dma_wait3A_56 = arith.constant 0 : i32
        %dma_wait3A_57 = tpu.memref_slice %arg8[%while3A_39, %dma_wait3A_56] : memref<107x128xi32, #tpu.memory_space<vmem>> -> memref<1x128xi32, #tpu.memory_space<vmem>>
        %dma_wait3A_58 = tpu.memref_squeeze %dma_wait3A_57 : memref<1x128xi32, #tpu.memory_space<vmem>> -> memref<128xi32, #tpu.memory_space<vmem>>
        %dma_wait3A_59 = arith.constant 0 : i32
        %dma_wait3A_60 = arith.constant 0 : i32
        %dma_wait3A_61 = tpu.memref_slice %arg10[%dma_wait3A_59, %dma_wait3A_60] : memref<10240x128xf32, #tpu.memory_space<vmem_shared>> -> memref<10240x128xf32, #tpu.memory_space<vmem_shared>>
        tpu.wait_indirect_dma semaphore(%run_scoped3A : memref<!tpu.dma_semaphore, #tpu.memory_space<semaphore_mem>>) src(%arg9 : memref<128x128xf32, #tpu.memory_space<vmem>>) dst(%dma_wait3A_61 : memref<10240x128xf32, #tpu.memory_space<vmem_shared>>)
        tpu.yield
      }) : () -> ()
    }
    %barrier3A_31 = arith.constant 0 : index
    tpu.barrier barrier_id(%barrier3A_31)
    %lt3A = arith.constant 15 : i32
    %lt3A_32 = arith.cmpi slt, %arg1, %lt3A : i32
    %convert_element_type3A = arith.extui %lt3A_32 : i1 to i32
    %cond3A = arith.constant 0 : i32
    %cond3A_33 = arith.cmpi ne, %convert_element_type3A, %cond3A : i32
    scf.if %cond3A_33 {
      %mul3A_39 = arith.constant 640 : i32
      %mul3A_40 = arith.muli %arg1, %mul3A_39 : i32
      %mul3A_41 = arith.constant 640 : i32
      %mul3A_42 = arith.muli %arg1, %mul3A_41 : i32
      "tpu.region"() ({
        %run_scoped3A = tpu.sem_alloc : memref<!tpu.dma_semaphore, #tpu.memory_space<semaphore_mem>>
        %dma_start3A = arith.constant 0 : i32
        %dma_start3A_43 = tpu.memref_slice %arg6[%arg0, %mul3A_42, %dma_start3A] : memref<2x10000x128xf32, #tpu.memory_space<hbm>> -> memref<1x640x128xf32, #tpu.memory_space<hbm>>
        %dma_start3A_44 = tpu.memref_squeeze %dma_start3A_43 : memref<1x640x128xf32, #tpu.memory_space<hbm>> -> memref<640x128xf32, #tpu.memory_space<hbm>>
        %dma_start3A_45 = arith.constant 0 : i32
        %dma_start3A_46 = tpu.memref_slice %arg10[%mul3A_40, %dma_start3A_45] : memref<10240x128xf32, #tpu.memory_space<vmem_shared>> -> memref<640x128xf32, #tpu.memory_space<vmem_shared>>
        tpu.enqueue_dma source(%dma_start3A_46 : memref<640x128xf32, #tpu.memory_space<vmem_shared>>) target(%dma_start3A_44 : memref<640x128xf32, #tpu.memory_space<hbm>>) target_semaphore(%run_scoped3A : memref<!tpu.dma_semaphore, #tpu.memory_space<semaphore_mem>>)
        %dma_wait3A = arith.constant 0 : i32
        %dma_wait3A_47 = tpu.memref_slice %arg6[%arg0, %mul3A_42, %dma_wait3A] : memref<2x10000x128xf32, #tpu.memory_space<hbm>> -> memref<1x640x128xf32, #tpu.memory_space<hbm>>
        %dma_wait3A_48 = tpu.memref_squeeze %dma_wait3A_47 : memref<1x640x128xf32, #tpu.memory_space<hbm>> -> memref<640x128xf32, #tpu.memory_space<hbm>>
        %dma_wait3A_49 = arith.constant 0 : i32
        %dma_wait3A_50 = tpu.memref_slice %arg10[%mul3A_40, %dma_wait3A_49] : memref<10240x128xf32, #tpu.memory_space<vmem_shared>> -> memref<640x128xf32, #tpu.memory_space<vmem_shared>>
        tpu.wait_dma2 semaphore(%run_scoped3A : memref<!tpu.dma_semaphore, #tpu.memory_space<semaphore_mem>>) src(%dma_wait3A_50 : memref<640x128xf32, #tpu.memory_space<vmem_shared>>) dst(%dma_wait3A_48 : memref<640x128xf32, #tpu.memory_space<hbm>>)
        tpu.yield
      }) : () -> ()
    } else {
    }
    %eq3A_34 = arith.constant 15 : i32
    %eq3A_35 = arith.cmpi eq, %arg1, %eq3A_34 : i32
    %convert_element_type3A_36 = arith.extui %eq3A_35 : i1 to i32
    %cond3A_37 = arith.constant 0 : i32
    %cond3A_38 = arith.cmpi ne, %convert_element_type3A_36, %cond3A_37 : i32
    scf.if %cond3A_38 {
      "tpu.region"() ({
        %run_scoped3A = tpu.sem_alloc : memref<!tpu.dma_semaphore, #tpu.memory_space<semaphore_mem>>
        %dma_start3A = arith.constant 9600 : i32
        %dma_start3A_39 = arith.constant 0 : i32
        %dma_start3A_40 = tpu.memref_slice %arg6[%arg0, %dma_start3A, %dma_start3A_39] : memref<2x10000x128xf32, #tpu.memory_space<hbm>> -> memref<1x400x128xf32, #tpu.memory_space<hbm>>
        %dma_start3A_41 = tpu.memref_squeeze %dma_start3A_40 : memref<1x400x128xf32, #tpu.memory_space<hbm>> -> memref<400x128xf32, #tpu.memory_space<hbm>>
        %dma_start3A_42 = arith.constant 9600 : i32
        %dma_start3A_43 = arith.constant 0 : i32
        %dma_start3A_44 = tpu.memref_slice %arg10[%dma_start3A_42, %dma_start3A_43] : memref<10240x128xf32, #tpu.memory_space<vmem_shared>> -> memref<400x128xf32, #tpu.memory_space<vmem_shared>>
        tpu.enqueue_dma source(%dma_start3A_44 : memref<400x128xf32, #tpu.memory_space<vmem_shared>>) target(%dma_start3A_41 : memref<400x128xf32, #tpu.memory_space<hbm>>) target_semaphore(%run_scoped3A : memref<!tpu.dma_semaphore, #tpu.memory_space<semaphore_mem>>)
        %dma_wait3A = arith.constant 9600 : i32
        %dma_wait3A_45 = arith.constant 0 : i32
        %dma_wait3A_46 = tpu.memref_slice %arg6[%arg0, %dma_wait3A, %dma_wait3A_45] : memref<2x10000x128xf32, #tpu.memory_space<hbm>> -> memref<1x400x128xf32, #tpu.memory_space<hbm>>
        %dma_wait3A_47 = tpu.memref_squeeze %dma_wait3A_46 : memref<1x400x128xf32, #tpu.memory_space<hbm>> -> memref<400x128xf32, #tpu.memory_space<hbm>>
        %dma_wait3A_48 = arith.constant 9600 : i32
        %dma_wait3A_49 = arith.constant 0 : i32
        %dma_wait3A_50 = tpu.memref_slice %arg10[%dma_wait3A_48, %dma_wait3A_49] : memref<10240x128xf32, #tpu.memory_space<vmem_shared>> -> memref<400x128xf32, #tpu.memory_space<vmem_shared>>
        tpu.wait_dma2 semaphore(%run_scoped3A : memref<!tpu.dma_semaphore, #tpu.memory_space<semaphore_mem>>) src(%dma_wait3A_50 : memref<400x128xf32, #tpu.memory_space<vmem_shared>>) dst(%dma_wait3A_47 : memref<400x128xf32, #tpu.memory_space<hbm>>)
        tpu.yield
      }) : () -> ()
    } else {
    }
    return
  }
}

#map = affine_map<(d0, d1) -> (0, 0)>
#map1 = affine_map<(d0, d1) -> (0, 0, 0)>
module attributes {stable_mosaic.version = 14 : i64} {
  func.func @agg_kernel(%arg0: i32, %arg1: i32, %arg2: memref<10000x128xf32, #tpu.memory_space<hbm>>, %arg3: memref<32x107x128xi32, #tpu.memory_space<hbm>>, %arg4: memref<32x107x128xi32, #tpu.memory_space<hbm>>, %arg5: memref<128x128xf32, #tpu.memory_space<hbm>>, %arg6: memref<2x10000x128xf32, #tpu.memory_space<hbm>>, %arg7: memref<107x128xi32, #tpu.memory_space<vmem>>, %arg8: memref<107x128xi32, #tpu.memory_space<vmem>>, %arg9: memref<128x128xf32, #tpu.memory_space<vmem>>, %arg10: memref<10240x128xf32, #tpu.memory_space<vmem_shared>>, %arg11: memref<!tpu.dma_semaphore, #tpu.memory_space<semaphore_mem>>) attributes {dimension_semantics = [#tpu.dimension_semantics<core_parallel>, #tpu.dimension_semantics<subcore_parallel>], iteration_bounds = array<i64: 2, 16>, scalar_prefetch = 0 : i64, scratch_operands = 5 : i64, tpu.core_type = #tpu.core_type<sc_vector_subcore>, window_params = [{transform_indices = #map}, {transform_indices = #map1}, {transform_indices = #map1}, {transform_indices = #map}, {transform_indices = #map1}]} {
    %mul3A = arith.constant 16 : i32
    %mul3A_0 = arith.muli %arg0, %mul3A : i32
    %add3A = arith.addi %mul3A_0, %arg1 : i32
    "tpu.region"() ({
      %run_scoped3A = tpu.sem_alloc : memref<!tpu.dma_semaphore, #tpu.memory_space<semaphore_mem>>
      tpu.enqueue_dma source(%arg5 : memref<128x128xf32, #tpu.memory_space<hbm>>) target(%arg9 : memref<128x128xf32, #tpu.memory_space<vmem>>) target_semaphore(%run_scoped3A : memref<!tpu.dma_semaphore, #tpu.memory_space<semaphore_mem>>)
      tpu.wait_dma2 semaphore(%run_scoped3A : memref<!tpu.dma_semaphore, #tpu.memory_space<semaphore_mem>>) src(%arg5 : memref<128x128xf32, #tpu.memory_space<hbm>>) dst(%arg9 : memref<128x128xf32, #tpu.memory_space<vmem>>)
      tpu.yield
    }) : () -> ()
    %mul3A_1 = arith.constant 640 : i32
    %mul3A_2 = arith.muli %arg1, %mul3A_1 : i32
    %add3A_3 = arith.constant 0 : i32
    %add3A_4 = arith.addi %mul3A_2, %add3A_3 : i32
    "tpu.region"() ({
      %run_scoped3A = tpu.sem_alloc : memref<!tpu.dma_semaphore, #tpu.memory_space<semaphore_mem>>
      %dma_start3A = arith.constant 0 : i32
      %dma_start3A_39 = tpu.memref_slice %arg10[%add3A_4, %dma_start3A] : memref<10240x128xf32, #tpu.memory_space<vmem_shared>> -> memref<128x128xf32, #tpu.memory_space<vmem_shared>>
      %dma_start3A_40 = arith.constant 0 : i32
      %dma_start3A_41 = tpu.memref_slice %arg10[%add3A_4, %dma_start3A_40] : memref<10240x128xf32, #tpu.memory_space<vmem_shared>> -> memref<128x128xf32, #tpu.memory_space<vmem_shared>>
      tpu.enqueue_dma source(%arg9 : memref<128x128xf32, #tpu.memory_space<vmem>>) target(%dma_start3A_41 : memref<128x128xf32, #tpu.memory_space<vmem_shared>>) target_semaphore(%run_scoped3A : memref<!tpu.dma_semaphore, #tpu.memory_space<semaphore_mem>>)
      %dma_wait3A = arith.constant 0 : i32
      %dma_wait3A_42 = tpu.memref_slice %arg10[%add3A_4, %dma_wait3A] : memref<10240x128xf32, #tpu.memory_space<vmem_shared>> -> memref<128x128xf32, #tpu.memory_space<vmem_shared>>
      %dma_wait3A_43 = arith.constant 0 : i32
      %dma_wait3A_44 = tpu.memref_slice %arg10[%add3A_4, %dma_wait3A_43] : memref<10240x128xf32, #tpu.memory_space<vmem_shared>> -> memref<128x128xf32, #tpu.memory_space<vmem_shared>>
      tpu.wait_dma2 semaphore(%run_scoped3A : memref<!tpu.dma_semaphore, #tpu.memory_space<semaphore_mem>>) src(%arg9 : memref<128x128xf32, #tpu.memory_space<vmem>>) dst(%dma_wait3A_44 : memref<128x128xf32, #tpu.memory_space<vmem_shared>>)
      tpu.yield
    }) : () -> ()
    %mul3A_5 = arith.constant 640 : i32
    %mul3A_6 = arith.muli %arg1, %mul3A_5 : i32
    %add3A_7 = arith.constant 128 : i32
    %add3A_8 = arith.addi %mul3A_6, %add3A_7 : i32
    "tpu.region"() ({
      %run_scoped3A = tpu.sem_alloc : memref<!tpu.dma_semaphore, #tpu.memory_space<semaphore_mem>>
      %dma_start3A = arith.constant 0 : i32
      %dma_start3A_39 = tpu.memref_slice %arg10[%add3A_8, %dma_start3A] : memref<10240x128xf32, #tpu.memory_space<vmem_shared>> -> memref<128x128xf32, #tpu.memory_space<vmem_shared>>
      %dma_start3A_40 = arith.constant 0 : i32
      %dma_start3A_41 = tpu.memref_slice %arg10[%add3A_8, %dma_start3A_40] : memref<10240x128xf32, #tpu.memory_space<vmem_shared>> -> memref<128x128xf32, #tpu.memory_space<vmem_shared>>
      tpu.enqueue_dma source(%arg9 : memref<128x128xf32, #tpu.memory_space<vmem>>) target(%dma_start3A_41 : memref<128x128xf32, #tpu.memory_space<vmem_shared>>) target_semaphore(%run_scoped3A : memref<!tpu.dma_semaphore, #tpu.memory_space<semaphore_mem>>)
      %dma_wait3A = arith.constant 0 : i32
      %dma_wait3A_42 = tpu.memref_slice %arg10[%add3A_8, %dma_wait3A] : memref<10240x128xf32, #tpu.memory_space<vmem_shared>> -> memref<128x128xf32, #tpu.memory_space<vmem_shared>>
      %dma_wait3A_43 = arith.constant 0 : i32
      %dma_wait3A_44 = tpu.memref_slice %arg10[%add3A_8, %dma_wait3A_43] : memref<10240x128xf32, #tpu.memory_space<vmem_shared>> -> memref<128x128xf32, #tpu.memory_space<vmem_shared>>
      tpu.wait_dma2 semaphore(%run_scoped3A : memref<!tpu.dma_semaphore, #tpu.memory_space<semaphore_mem>>) src(%arg9 : memref<128x128xf32, #tpu.memory_space<vmem>>) dst(%dma_wait3A_44 : memref<128x128xf32, #tpu.memory_space<vmem_shared>>)
      tpu.yield
    }) : () -> ()
    %mul3A_9 = arith.constant 640 : i32
    %mul3A_10 = arith.muli %arg1, %mul3A_9 : i32
    %add3A_11 = arith.constant 256 : i32
    %add3A_12 = arith.addi %mul3A_10, %add3A_11 : i32
    "tpu.region"() ({
      %run_scoped3A = tpu.sem_alloc : memref<!tpu.dma_semaphore, #tpu.memory_space<semaphore_mem>>
      %dma_start3A = arith.constant 0 : i32
      %dma_start3A_39 = tpu.memref_slice %arg10[%add3A_12, %dma_start3A] : memref<10240x128xf32, #tpu.memory_space<vmem_shared>> -> memref<128x128xf32, #tpu.memory_space<vmem_shared>>
      %dma_start3A_40 = arith.constant 0 : i32
      %dma_start3A_41 = tpu.memref_slice %arg10[%add3A_12, %dma_start3A_40] : memref<10240x128xf32, #tpu.memory_space<vmem_shared>> -> memref<128x128xf32, #tpu.memory_space<vmem_shared>>
      tpu.enqueue_dma source(%arg9 : memref<128x128xf32, #tpu.memory_space<vmem>>) target(%dma_start3A_41 : memref<128x128xf32, #tpu.memory_space<vmem_shared>>) target_semaphore(%run_scoped3A : memref<!tpu.dma_semaphore, #tpu.memory_space<semaphore_mem>>)
      %dma_wait3A = arith.constant 0 : i32
      %dma_wait3A_42 = tpu.memref_slice %arg10[%add3A_12, %dma_wait3A] : memref<10240x128xf32, #tpu.memory_space<vmem_shared>> -> memref<128x128xf32, #tpu.memory_space<vmem_shared>>
      %dma_wait3A_43 = arith.constant 0 : i32
      %dma_wait3A_44 = tpu.memref_slice %arg10[%add3A_12, %dma_wait3A_43] : memref<10240x128xf32, #tpu.memory_space<vmem_shared>> -> memref<128x128xf32, #tpu.memory_space<vmem_shared>>
      tpu.wait_dma2 semaphore(%run_scoped3A : memref<!tpu.dma_semaphore, #tpu.memory_space<semaphore_mem>>) src(%arg9 : memref<128x128xf32, #tpu.memory_space<vmem>>) dst(%dma_wait3A_44 : memref<128x128xf32, #tpu.memory_space<vmem_shared>>)
      tpu.yield
    }) : () -> ()
    %mul3A_13 = arith.constant 640 : i32
    %mul3A_14 = arith.muli %arg1, %mul3A_13 : i32
    %add3A_15 = arith.constant 384 : i32
    %add3A_16 = arith.addi %mul3A_14, %add3A_15 : i32
    "tpu.region"() ({
      %run_scoped3A = tpu.sem_alloc : memref<!tpu.dma_semaphore, #tpu.memory_space<semaphore_mem>>
      %dma_start3A = arith.constant 0 : i32
      %dma_start3A_39 = tpu.memref_slice %arg10[%add3A_16, %dma_start3A] : memref<10240x128xf32, #tpu.memory_space<vmem_shared>> -> memref<128x128xf32, #tpu.memory_space<vmem_shared>>
      %dma_start3A_40 = arith.constant 0 : i32
      %dma_start3A_41 = tpu.memref_slice %arg10[%add3A_16, %dma_start3A_40] : memref<10240x128xf32, #tpu.memory_space<vmem_shared>> -> memref<128x128xf32, #tpu.memory_space<vmem_shared>>
      tpu.enqueue_dma source(%arg9 : memref<128x128xf32, #tpu.memory_space<vmem>>) target(%dma_start3A_41 : memref<128x128xf32, #tpu.memory_space<vmem_shared>>) target_semaphore(%run_scoped3A : memref<!tpu.dma_semaphore, #tpu.memory_space<semaphore_mem>>)
      %dma_wait3A = arith.constant 0 : i32
      %dma_wait3A_42 = tpu.memref_slice %arg10[%add3A_16, %dma_wait3A] : memref<10240x128xf32, #tpu.memory_space<vmem_shared>> -> memref<128x128xf32, #tpu.memory_space<vmem_shared>>
      %dma_wait3A_43 = arith.constant 0 : i32
      %dma_wait3A_44 = tpu.memref_slice %arg10[%add3A_16, %dma_wait3A_43] : memref<10240x128xf32, #tpu.memory_space<vmem_shared>> -> memref<128x128xf32, #tpu.memory_space<vmem_shared>>
      tpu.wait_dma2 semaphore(%run_scoped3A : memref<!tpu.dma_semaphore, #tpu.memory_space<semaphore_mem>>) src(%arg9 : memref<128x128xf32, #tpu.memory_space<vmem>>) dst(%dma_wait3A_44 : memref<128x128xf32, #tpu.memory_space<vmem_shared>>)
      tpu.yield
    }) : () -> ()
    %mul3A_17 = arith.constant 640 : i32
    %mul3A_18 = arith.muli %arg1, %mul3A_17 : i32
    %add3A_19 = arith.constant 512 : i32
    %add3A_20 = arith.addi %mul3A_18, %add3A_19 : i32
    "tpu.region"() ({
      %run_scoped3A = tpu.sem_alloc : memref<!tpu.dma_semaphore, #tpu.memory_space<semaphore_mem>>
      %dma_start3A = arith.constant 0 : i32
      %dma_start3A_39 = tpu.memref_slice %arg10[%add3A_20, %dma_start3A] : memref<10240x128xf32, #tpu.memory_space<vmem_shared>> -> memref<128x128xf32, #tpu.memory_space<vmem_shared>>
      %dma_start3A_40 = arith.constant 0 : i32
      %dma_start3A_41 = tpu.memref_slice %arg10[%add3A_20, %dma_start3A_40] : memref<10240x128xf32, #tpu.memory_space<vmem_shared>> -> memref<128x128xf32, #tpu.memory_space<vmem_shared>>
      tpu.enqueue_dma source(%arg9 : memref<128x128xf32, #tpu.memory_space<vmem>>) target(%dma_start3A_41 : memref<128x128xf32, #tpu.memory_space<vmem_shared>>) target_semaphore(%run_scoped3A : memref<!tpu.dma_semaphore, #tpu.memory_space<semaphore_mem>>)
      %dma_wait3A = arith.constant 0 : i32
      %dma_wait3A_42 = tpu.memref_slice %arg10[%add3A_20, %dma_wait3A] : memref<10240x128xf32, #tpu.memory_space<vmem_shared>> -> memref<128x128xf32, #tpu.memory_space<vmem_shared>>
      %dma_wait3A_43 = arith.constant 0 : i32
      %dma_wait3A_44 = tpu.memref_slice %arg10[%add3A_20, %dma_wait3A_43] : memref<10240x128xf32, #tpu.memory_space<vmem_shared>> -> memref<128x128xf32, #tpu.memory_space<vmem_shared>>
      tpu.wait_dma2 semaphore(%run_scoped3A : memref<!tpu.dma_semaphore, #tpu.memory_space<semaphore_mem>>) src(%arg9 : memref<128x128xf32, #tpu.memory_space<vmem>>) dst(%dma_wait3A_44 : memref<128x128xf32, #tpu.memory_space<vmem_shared>>)
      tpu.yield
    }) : () -> ()
    %barrier3A = arith.constant 0 : index
    tpu.barrier barrier_id(%barrier3A)
    "tpu.region"() ({
      %run_scoped3A = tpu.sem_alloc : memref<!tpu.dma_semaphore, #tpu.memory_space<semaphore_mem>>
      %dma_start3A = arith.constant 0 : i32
      %dma_start3A_39 = arith.constant 0 : i32
      %dma_start3A_40 = tpu.memref_slice %arg3[%add3A, %dma_start3A, %dma_start3A_39] : memref<32x107x128xi32, #tpu.memory_space<hbm>> -> memref<1x107x128xi32, #tpu.memory_space<hbm>>
      %dma_start3A_41 = tpu.memref_squeeze %dma_start3A_40 : memref<1x107x128xi32, #tpu.memory_space<hbm>> -> memref<107x128xi32, #tpu.memory_space<hbm>>
      %dma_start3A_42 = arith.constant 0 : i32
      %dma_start3A_43 = arith.constant 0 : i32
      %dma_start3A_44 = tpu.memref_slice %arg3[%add3A, %dma_start3A_42, %dma_start3A_43] : memref<32x107x128xi32, #tpu.memory_space<hbm>> -> memref<1x107x128xi32, #tpu.memory_space<hbm>>
      %dma_start3A_45 = tpu.memref_squeeze %dma_start3A_44 : memref<1x107x128xi32, #tpu.memory_space<hbm>> -> memref<107x128xi32, #tpu.memory_space<hbm>>
      tpu.enqueue_dma source(%dma_start3A_45 : memref<107x128xi32, #tpu.memory_space<hbm>>) target(%arg7 : memref<107x128xi32, #tpu.memory_space<vmem>>) target_semaphore(%run_scoped3A : memref<!tpu.dma_semaphore, #tpu.memory_space<semaphore_mem>>)
      %dma_wait3A = arith.constant 0 : i32
      %dma_wait3A_46 = arith.constant 0 : i32
      %dma_wait3A_47 = tpu.memref_slice %arg3[%add3A, %dma_wait3A, %dma_wait3A_46] : memref<32x107x128xi32, #tpu.memory_space<hbm>> -> memref<1x107x128xi32, #tpu.memory_space<hbm>>
      %dma_wait3A_48 = tpu.memref_squeeze %dma_wait3A_47 : memref<1x107x128xi32, #tpu.memory_space<hbm>> -> memref<107x128xi32, #tpu.memory_space<hbm>>
      %dma_wait3A_49 = arith.constant 0 : i32
      %dma_wait3A_50 = arith.constant 0 : i32
      %dma_wait3A_51 = tpu.memref_slice %arg3[%add3A, %dma_wait3A_49, %dma_wait3A_50] : memref<32x107x128xi32, #tpu.memory_space<hbm>> -> memref<1x107x128xi32, #tpu.memory_space<hbm>>
      %dma_wait3A_52 = tpu.memref_squeeze %dma_wait3A_51 : memref<1x107x128xi32, #tpu.memory_space<hbm>> -> memref<107x128xi32, #tpu.memory_space<hbm>>
      tpu.wait_dma2 semaphore(%run_scoped3A : memref<!tpu.dma_semaphore, #tpu.memory_space<semaphore_mem>>) src(%dma_wait3A_52 : memref<107x128xi32, #tpu.memory_space<hbm>>) dst(%arg7 : memref<107x128xi32, #tpu.memory_space<vmem>>)
      tpu.yield
    }) : () -> ()
    "tpu.region"() ({
      %run_scoped3A = tpu.sem_alloc : memref<!tpu.dma_semaphore, #tpu.memory_space<semaphore_mem>>
      %dma_start3A = arith.constant 0 : i32
      %dma_start3A_39 = arith.constant 0 : i32
      %dma_start3A_40 = tpu.memref_slice %arg4[%add3A, %dma_start3A, %dma_start3A_39] : memref<32x107x128xi32, #tpu.memory_space<hbm>> -> memref<1x107x128xi32, #tpu.memory_space<hbm>>
      %dma_start3A_41 = tpu.memref_squeeze %dma_start3A_40 : memref<1x107x128xi32, #tpu.memory_space<hbm>> -> memref<107x128xi32, #tpu.memory_space<hbm>>
      %dma_start3A_42 = arith.constant 0 : i32
      %dma_start3A_43 = arith.constant 0 : i32
      %dma_start3A_44 = tpu.memref_slice %arg4[%add3A, %dma_start3A_42, %dma_start3A_43] : memref<32x107x128xi32, #tpu.memory_space<hbm>> -> memref<1x107x128xi32, #tpu.memory_space<hbm>>
      %dma_start3A_45 = tpu.memref_squeeze %dma_start3A_44 : memref<1x107x128xi32, #tpu.memory_space<hbm>> -> memref<107x128xi32, #tpu.memory_space<hbm>>
      tpu.enqueue_dma source(%dma_start3A_45 : memref<107x128xi32, #tpu.memory_space<hbm>>) target(%arg8 : memref<107x128xi32, #tpu.memory_space<vmem>>) target_semaphore(%run_scoped3A : memref<!tpu.dma_semaphore, #tpu.memory_space<semaphore_mem>>)
      %dma_wait3A = arith.constant 0 : i32
      %dma_wait3A_46 = arith.constant 0 : i32
      %dma_wait3A_47 = tpu.memref_slice %arg4[%add3A, %dma_wait3A, %dma_wait3A_46] : memref<32x107x128xi32, #tpu.memory_space<hbm>> -> memref<1x107x128xi32, #tpu.memory_space<hbm>>
      %dma_wait3A_48 = tpu.memref_squeeze %dma_wait3A_47 : memref<1x107x128xi32, #tpu.memory_space<hbm>> -> memref<107x128xi32, #tpu.memory_space<hbm>>
      %dma_wait3A_49 = arith.constant 0 : i32
      %dma_wait3A_50 = arith.constant 0 : i32
      %dma_wait3A_51 = tpu.memref_slice %arg4[%add3A, %dma_wait3A_49, %dma_wait3A_50] : memref<32x107x128xi32, #tpu.memory_space<hbm>> -> memref<1x107x128xi32, #tpu.memory_space<hbm>>
      %dma_wait3A_52 = tpu.memref_squeeze %dma_wait3A_51 : memref<1x107x128xi32, #tpu.memory_space<hbm>> -> memref<107x128xi32, #tpu.memory_space<hbm>>
      tpu.wait_dma2 semaphore(%run_scoped3A : memref<!tpu.dma_semaphore, #tpu.memory_space<semaphore_mem>>) src(%dma_wait3A_52 : memref<107x128xi32, #tpu.memory_space<hbm>>) dst(%arg8 : memref<107x128xi32, #tpu.memory_space<vmem>>)
      tpu.yield
    }) : () -> ()
    %eq3A = arith.constant 0 : i32
    %eq3A_21 = arith.cmpi eq, %arg0, %eq3A : i32
    %jit3A = arith.constant 50 : i32
    %jit3A_22 = arith.constant 107 : i32
    %select_n3A = arith.select %eq3A_21, %jit3A, %jit3A_22 : i32
    %while3A = arith.constant 0 : i32
    %while3A_23 = arith.subi %select_n3A, %while3A : i32
    %while3A_24 = arith.addi %while3A, %while3A_23 : i32
    %while3A_25 = arith.constant 1 : i32
    %while3A_26 = arith.divsi %while3A_23, %while3A_25 : i32
    %while3A_27 = arith.muli %while3A_26, %while3A_25 : i32
    %while3A_28 = arith.addi %while3A, %while3A_27 : i32
    %while3A_29 = arith.constant 1 : i32
    scf.for %while3A_39 = %while3A to %while3A_28 step %while3A_29  : i32 {
      %dma_start3A = arith.constant 0 : i32
      %dma_start3A_40 = tpu.memref_slice %arg7[%while3A_39, %dma_start3A] : memref<107x128xi32, #tpu.memory_space<vmem>> -> memref<1x128xi32, #tpu.memory_space<vmem>>
      %dma_start3A_41 = tpu.memref_squeeze %dma_start3A_40 : memref<1x128xi32, #tpu.memory_space<vmem>> -> memref<128xi32, #tpu.memory_space<vmem>>
      %dma_start3A_42 = arith.constant 0 : i32
      %dma_start3A_43 = arith.constant 0 : i32
      %dma_start3A_44 = tpu.memref_slice %arg2[%dma_start3A_42, %dma_start3A_43] : memref<10000x128xf32, #tpu.memory_space<hbm>> -> memref<10000x128xf32, #tpu.memory_space<hbm>>
      tpu.enqueue_indirect_dma source(%dma_start3A_44 : memref<10000x128xf32, #tpu.memory_space<hbm>>) target(%arg9 : memref<128x128xf32, #tpu.memory_space<vmem>>) offsets(%dma_start3A_41 : memref<128xi32, #tpu.memory_space<vmem>>) semaphore(%arg11 : memref<!tpu.dma_semaphore, #tpu.memory_space<semaphore_mem>>)
      %dma_wait3A = arith.constant 0 : i32
      %dma_wait3A_45 = tpu.memref_slice %arg7[%while3A_39, %dma_wait3A] : memref<107x128xi32, #tpu.memory_space<vmem>> -> memref<1x128xi32, #tpu.memory_space<vmem>>
      %dma_wait3A_46 = tpu.memref_squeeze %dma_wait3A_45 : memref<1x128xi32, #tpu.memory_space<vmem>> -> memref<128xi32, #tpu.memory_space<vmem>>
      %dma_wait3A_47 = arith.constant 0 : i32
      %dma_wait3A_48 = arith.constant 0 : i32
      %dma_wait3A_49 = tpu.memref_slice %arg2[%dma_wait3A_47, %dma_wait3A_48] : memref<10000x128xf32, #tpu.memory_space<hbm>> -> memref<10000x128xf32, #tpu.memory_space<hbm>>
      tpu.wait_indirect_dma semaphore(%arg11 : memref<!tpu.dma_semaphore, #tpu.memory_space<semaphore_mem>>) src(%dma_wait3A_49 : memref<10000x128xf32, #tpu.memory_space<hbm>>) dst(%arg9 : memref<128x128xf32, #tpu.memory_space<vmem>>)
      "tpu.region"() ({
        %run_scoped3A = tpu.sem_alloc : memref<!tpu.dma_semaphore, #tpu.memory_space<semaphore_mem>>
        %dma_start3A_50 = arith.constant 0 : i32
        %dma_start3A_51 = tpu.memref_slice %arg8[%while3A_39, %dma_start3A_50] : memref<107x128xi32, #tpu.memory_space<vmem>> -> memref<1x128xi32, #tpu.memory_space<vmem>>
        %dma_start3A_52 = tpu.memref_squeeze %dma_start3A_51 : memref<1x128xi32, #tpu.memory_space<vmem>> -> memref<128xi32, #tpu.memory_space<vmem>>
        %dma_start3A_53 = arith.constant 0 : i32
        %dma_start3A_54 = arith.constant 0 : i32
        %dma_start3A_55 = tpu.memref_slice %arg10[%dma_start3A_53, %dma_start3A_54] : memref<10240x128xf32, #tpu.memory_space<vmem_shared>> -> memref<10240x128xf32, #tpu.memory_space<vmem_shared>>
        tpu.enqueue_indirect_dma source(%arg9 : memref<128x128xf32, #tpu.memory_space<vmem>>) target(%dma_start3A_55 : memref<10240x128xf32, #tpu.memory_space<vmem_shared>>) offsets(%dma_start3A_52 : memref<128xi32, #tpu.memory_space<vmem>>) semaphore(%run_scoped3A : memref<!tpu.dma_semaphore, #tpu.memory_space<semaphore_mem>>) {add = true}
        %dma_wait3A_56 = arith.constant 0 : i32
        %dma_wait3A_57 = tpu.memref_slice %arg8[%while3A_39, %dma_wait3A_56] : memref<107x128xi32, #tpu.memory_space<vmem>> -> memref<1x128xi32, #tpu.memory_space<vmem>>
        %dma_wait3A_58 = tpu.memref_squeeze %dma_wait3A_57 : memref<1x128xi32, #tpu.memory_space<vmem>> -> memref<128xi32, #tpu.memory_space<vmem>>
        %dma_wait3A_59 = arith.constant 0 : i32
        %dma_wait3A_60 = arith.constant 0 : i32
        %dma_wait3A_61 = tpu.memref_slice %arg10[%dma_wait3A_59, %dma_wait3A_60] : memref<10240x128xf32, #tpu.memory_space<vmem_shared>> -> memref<10240x128xf32, #tpu.memory_space<vmem_shared>>
        tpu.wait_indirect_dma semaphore(%run_scoped3A : memref<!tpu.dma_semaphore, #tpu.memory_space<semaphore_mem>>) src(%arg9 : memref<128x128xf32, #tpu.memory_space<vmem>>) dst(%dma_wait3A_61 : memref<10240x128xf32, #tpu.memory_space<vmem_shared>>)
        tpu.yield
      }) : () -> ()
    }
    %while3A_30 = arith.constant 1 : i32
    scf.for %while3A_39 = %while3A_28 to %while3A_24 step %while3A_30  : i32 {
      %dma_start3A = arith.constant 0 : i32
      %dma_start3A_40 = tpu.memref_slice %arg7[%while3A_39, %dma_start3A] : memref<107x128xi32, #tpu.memory_space<vmem>> -> memref<1x128xi32, #tpu.memory_space<vmem>>
      %dma_start3A_41 = tpu.memref_squeeze %dma_start3A_40 : memref<1x128xi32, #tpu.memory_space<vmem>> -> memref<128xi32, #tpu.memory_space<vmem>>
      %dma_start3A_42 = arith.constant 0 : i32
      %dma_start3A_43 = arith.constant 0 : i32
      %dma_start3A_44 = tpu.memref_slice %arg2[%dma_start3A_42, %dma_start3A_43] : memref<10000x128xf32, #tpu.memory_space<hbm>> -> memref<10000x128xf32, #tpu.memory_space<hbm>>
      tpu.enqueue_indirect_dma source(%dma_start3A_44 : memref<10000x128xf32, #tpu.memory_space<hbm>>) target(%arg9 : memref<128x128xf32, #tpu.memory_space<vmem>>) offsets(%dma_start3A_41 : memref<128xi32, #tpu.memory_space<vmem>>) semaphore(%arg11 : memref<!tpu.dma_semaphore, #tpu.memory_space<semaphore_mem>>)
      %dma_wait3A = arith.constant 0 : i32
      %dma_wait3A_45 = tpu.memref_slice %arg7[%while3A_39, %dma_wait3A] : memref<107x128xi32, #tpu.memory_space<vmem>> -> memref<1x128xi32, #tpu.memory_space<vmem>>
      %dma_wait3A_46 = tpu.memref_squeeze %dma_wait3A_45 : memref<1x128xi32, #tpu.memory_space<vmem>> -> memref<128xi32, #tpu.memory_space<vmem>>
      %dma_wait3A_47 = arith.constant 0 : i32
      %dma_wait3A_48 = arith.constant 0 : i32
      %dma_wait3A_49 = tpu.memref_slice %arg2[%dma_wait3A_47, %dma_wait3A_48] : memref<10000x128xf32, #tpu.memory_space<hbm>> -> memref<10000x128xf32, #tpu.memory_space<hbm>>
      tpu.wait_indirect_dma semaphore(%arg11 : memref<!tpu.dma_semaphore, #tpu.memory_space<semaphore_mem>>) src(%dma_wait3A_49 : memref<10000x128xf32, #tpu.memory_space<hbm>>) dst(%arg9 : memref<128x128xf32, #tpu.memory_space<vmem>>)
      "tpu.region"() ({
        %run_scoped3A = tpu.sem_alloc : memref<!tpu.dma_semaphore, #tpu.memory_space<semaphore_mem>>
        %dma_start3A_50 = arith.constant 0 : i32
        %dma_start3A_51 = tpu.memref_slice %arg8[%while3A_39, %dma_start3A_50] : memref<107x128xi32, #tpu.memory_space<vmem>> -> memref<1x128xi32, #tpu.memory_space<vmem>>
        %dma_start3A_52 = tpu.memref_squeeze %dma_start3A_51 : memref<1x128xi32, #tpu.memory_space<vmem>> -> memref<128xi32, #tpu.memory_space<vmem>>
        %dma_start3A_53 = arith.constant 0 : i32
        %dma_start3A_54 = arith.constant 0 : i32
        %dma_start3A_55 = tpu.memref_slice %arg10[%dma_start3A_53, %dma_start3A_54] : memref<10240x128xf32, #tpu.memory_space<vmem_shared>> -> memref<10240x128xf32, #tpu.memory_space<vmem_shared>>
        tpu.enqueue_indirect_dma source(%arg9 : memref<128x128xf32, #tpu.memory_space<vmem>>) target(%dma_start3A_55 : memref<10240x128xf32, #tpu.memory_space<vmem_shared>>) offsets(%dma_start3A_52 : memref<128xi32, #tpu.memory_space<vmem>>) semaphore(%run_scoped3A : memref<!tpu.dma_semaphore, #tpu.memory_space<semaphore_mem>>) {add = true}
        %dma_wait3A_56 = arith.constant 0 : i32
        %dma_wait3A_57 = tpu.memref_slice %arg8[%while3A_39, %dma_wait3A_56] : memref<107x128xi32, #tpu.memory_space<vmem>> -> memref<1x128xi32, #tpu.memory_space<vmem>>
        %dma_wait3A_58 = tpu.memref_squeeze %dma_wait3A_57 : memref<1x128xi32, #tpu.memory_space<vmem>> -> memref<128xi32, #tpu.memory_space<vmem>>
        %dma_wait3A_59 = arith.constant 0 : i32
        %dma_wait3A_60 = arith.constant 0 : i32
        %dma_wait3A_61 = tpu.memref_slice %arg10[%dma_wait3A_59, %dma_wait3A_60] : memref<10240x128xf32, #tpu.memory_space<vmem_shared>> -> memref<10240x128xf32, #tpu.memory_space<vmem_shared>>
        tpu.wait_indirect_dma semaphore(%run_scoped3A : memref<!tpu.dma_semaphore, #tpu.memory_space<semaphore_mem>>) src(%arg9 : memref<128x128xf32, #tpu.memory_space<vmem>>) dst(%dma_wait3A_61 : memref<10240x128xf32, #tpu.memory_space<vmem_shared>>)
        tpu.yield
      }) : () -> ()
    }
    %barrier3A_31 = arith.constant 0 : index
    tpu.barrier barrier_id(%barrier3A_31)
    %lt3A = arith.constant 15 : i32
    %lt3A_32 = arith.cmpi slt, %arg1, %lt3A : i32
    %convert_element_type3A = arith.extui %lt3A_32 : i1 to i32
    %cond3A = arith.constant 0 : i32
    %cond3A_33 = arith.cmpi ne, %convert_element_type3A, %cond3A : i32
    scf.if %cond3A_33 {
      %mul3A_39 = arith.constant 640 : i32
      %mul3A_40 = arith.muli %arg1, %mul3A_39 : i32
      %mul3A_41 = arith.constant 640 : i32
      %mul3A_42 = arith.muli %arg1, %mul3A_41 : i32
      "tpu.region"() ({
        %run_scoped3A = tpu.sem_alloc : memref<!tpu.dma_semaphore, #tpu.memory_space<semaphore_mem>>
        %dma_start3A = arith.constant 0 : i32
        %dma_start3A_43 = tpu.memref_slice %arg6[%arg0, %mul3A_42, %dma_start3A] : memref<2x10000x128xf32, #tpu.memory_space<hbm>> -> memref<1x640x128xf32, #tpu.memory_space<hbm>>
        %dma_start3A_44 = tpu.memref_squeeze %dma_start3A_43 : memref<1x640x128xf32, #tpu.memory_space<hbm>> -> memref<640x128xf32, #tpu.memory_space<hbm>>
        %dma_start3A_45 = arith.constant 0 : i32
        %dma_start3A_46 = tpu.memref_slice %arg10[%mul3A_40, %dma_start3A_45] : memref<10240x128xf32, #tpu.memory_space<vmem_shared>> -> memref<640x128xf32, #tpu.memory_space<vmem_shared>>
        tpu.enqueue_dma source(%dma_start3A_46 : memref<640x128xf32, #tpu.memory_space<vmem_shared>>) target(%dma_start3A_44 : memref<640x128xf32, #tpu.memory_space<hbm>>) target_semaphore(%run_scoped3A : memref<!tpu.dma_semaphore, #tpu.memory_space<semaphore_mem>>)
        %dma_wait3A = arith.constant 0 : i32
        %dma_wait3A_47 = tpu.memref_slice %arg6[%arg0, %mul3A_42, %dma_wait3A] : memref<2x10000x128xf32, #tpu.memory_space<hbm>> -> memref<1x640x128xf32, #tpu.memory_space<hbm>>
        %dma_wait3A_48 = tpu.memref_squeeze %dma_wait3A_47 : memref<1x640x128xf32, #tpu.memory_space<hbm>> -> memref<640x128xf32, #tpu.memory_space<hbm>>
        %dma_wait3A_49 = arith.constant 0 : i32
        %dma_wait3A_50 = tpu.memref_slice %arg10[%mul3A_40, %dma_wait3A_49] : memref<10240x128xf32, #tpu.memory_space<vmem_shared>> -> memref<640x128xf32, #tpu.memory_space<vmem_shared>>
        tpu.wait_dma2 semaphore(%run_scoped3A : memref<!tpu.dma_semaphore, #tpu.memory_space<semaphore_mem>>) src(%dma_wait3A_50 : memref<640x128xf32, #tpu.memory_space<vmem_shared>>) dst(%dma_wait3A_48 : memref<640x128xf32, #tpu.memory_space<hbm>>)
        tpu.yield
      }) : () -> ()
    } else {
    }
    %eq3A_34 = arith.constant 15 : i32
    %eq3A_35 = arith.cmpi eq, %arg1, %eq3A_34 : i32
    %convert_element_type3A_36 = arith.extui %eq3A_35 : i1 to i32
    %cond3A_37 = arith.constant 0 : i32
    %cond3A_38 = arith.cmpi ne, %convert_element_type3A_36, %cond3A_37 : i32
    scf.if %cond3A_38 {
      "tpu.region"() ({
        %run_scoped3A = tpu.sem_alloc : memref<!tpu.dma_semaphore, #tpu.memory_space<semaphore_mem>>
        %dma_start3A = arith.constant 9600 : i32
        %dma_start3A_39 = arith.constant 0 : i32
        %dma_start3A_40 = tpu.memref_slice %arg6[%arg0, %dma_start3A, %dma_start3A_39] : memref<2x10000x128xf32, #tpu.memory_space<hbm>> -> memref<1x400x128xf32, #tpu.memory_space<hbm>>
        %dma_start3A_41 = tpu.memref_squeeze %dma_start3A_40 : memref<1x400x128xf32, #tpu.memory_space<hbm>> -> memref<400x128xf32, #tpu.memory_space<hbm>>
        %dma_start3A_42 = arith.constant 9600 : i32
        %dma_start3A_43 = arith.constant 0 : i32
        %dma_start3A_44 = tpu.memref_slice %arg10[%dma_start3A_42, %dma_start3A_43] : memref<10240x128xf32, #tpu.memory_space<vmem_shared>> -> memref<400x128xf32, #tpu.memory_space<vmem_shared>>
        tpu.enqueue_dma source(%dma_start3A_44 : memref<400x128xf32, #tpu.memory_space<vmem_shared>>) target(%dma_start3A_41 : memref<400x128xf32, #tpu.memory_space<hbm>>) target_semaphore(%run_scoped3A : memref<!tpu.dma_semaphore, #tpu.memory_space<semaphore_mem>>)
        %dma_wait3A = arith.constant 9600 : i32
        %dma_wait3A_45 = arith.constant 0 : i32
        %dma_wait3A_46 = tpu.memref_slice %arg6[%arg0, %dma_wait3A, %dma_wait3A_45] : memref<2x10000x128xf32, #tpu.memory_space<hbm>> -> memref<1x400x128xf32, #tpu.memory_space<hbm>>
        %dma_wait3A_47 = tpu.memref_squeeze %dma_wait3A_46 : memref<1x400x128xf32, #tpu.memory_space<hbm>> -> memref<400x128xf32, #tpu.memory_space<hbm>>
        %dma_wait3A_48 = arith.constant 9600 : i32
        %dma_wait3A_49 = arith.constant 0 : i32
        %dma_wait3A_50 = tpu.memref_slice %arg10[%dma_wait3A_48, %dma_wait3A_49] : memref<10240x128xf32, #tpu.memory_space<vmem_shared>> -> memref<400x128xf32, #tpu.memory_space<vmem_shared>>
        tpu.wait_dma2 semaphore(%run_scoped3A : memref<!tpu.dma_semaphore, #tpu.memory_space<semaphore_mem>>) src(%dma_wait3A_50 : memref<400x128xf32, #tpu.memory_space<vmem_shared>>) dst(%dma_wait3A_47 : memref<400x128xf32, #tpu.memory_space<hbm>>)
        tpu.yield
      }) : () -> ()
    } else {
    }
    return
  }
}

#map = affine_map<(d0, d1) -> (0, 0)>
#map1 = affine_map<(d0, d1) -> (0, 0, 0)>
module attributes {stable_mosaic.version = 14 : i64} {
  func.func @agg_kernel(%arg0: i32, %arg1: i32, %arg2: memref<10000x128xf32, #tpu.memory_space<hbm>>, %arg3: memref<32x107x128xi32, #tpu.memory_space<hbm>>, %arg4: memref<32x107x128xi32, #tpu.memory_space<hbm>>, %arg5: memref<128x128xf32, #tpu.memory_space<hbm>>, %arg6: memref<2x10000x128xf32, #tpu.memory_space<hbm>>, %arg7: memref<107x128xi32, #tpu.memory_space<vmem>>, %arg8: memref<107x128xi32, #tpu.memory_space<vmem>>, %arg9: memref<128x128xf32, #tpu.memory_space<vmem>>, %arg10: memref<10240x128xf32, #tpu.memory_space<vmem_shared>>, %arg11: memref<!tpu.dma_semaphore, #tpu.memory_space<semaphore_mem>>) attributes {dimension_semantics = [#tpu.dimension_semantics<core_parallel>, #tpu.dimension_semantics<subcore_parallel>], iteration_bounds = array<i64: 2, 16>, scalar_prefetch = 0 : i64, scratch_operands = 5 : i64, tpu.core_type = #tpu.core_type<sc_vector_subcore>, window_params = [{transform_indices = #map}, {transform_indices = #map1}, {transform_indices = #map1}, {transform_indices = #map}, {transform_indices = #map1}]} {
    %mul3A = arith.constant 16 : i32
    %mul3A_0 = arith.muli %arg0, %mul3A : i32
    %add3A = arith.addi %mul3A_0, %arg1 : i32
    "tpu.region"() ({
      %run_scoped3A = tpu.sem_alloc : memref<!tpu.dma_semaphore, #tpu.memory_space<semaphore_mem>>
      tpu.enqueue_dma source(%arg5 : memref<128x128xf32, #tpu.memory_space<hbm>>) target(%arg9 : memref<128x128xf32, #tpu.memory_space<vmem>>) target_semaphore(%run_scoped3A : memref<!tpu.dma_semaphore, #tpu.memory_space<semaphore_mem>>)
      tpu.wait_dma2 semaphore(%run_scoped3A : memref<!tpu.dma_semaphore, #tpu.memory_space<semaphore_mem>>) src(%arg5 : memref<128x128xf32, #tpu.memory_space<hbm>>) dst(%arg9 : memref<128x128xf32, #tpu.memory_space<vmem>>)
      tpu.yield
    }) : () -> ()
    %mul3A_1 = arith.constant 640 : i32
    %mul3A_2 = arith.muli %arg1, %mul3A_1 : i32
    %add3A_3 = arith.constant 0 : i32
    %add3A_4 = arith.addi %mul3A_2, %add3A_3 : i32
    "tpu.region"() ({
      %run_scoped3A = tpu.sem_alloc : memref<!tpu.dma_semaphore, #tpu.memory_space<semaphore_mem>>
      %dma_start3A = arith.constant 0 : i32
      %dma_start3A_39 = tpu.memref_slice %arg10[%add3A_4, %dma_start3A] : memref<10240x128xf32, #tpu.memory_space<vmem_shared>> -> memref<128x128xf32, #tpu.memory_space<vmem_shared>>
      %dma_start3A_40 = arith.constant 0 : i32
      %dma_start3A_41 = tpu.memref_slice %arg10[%add3A_4, %dma_start3A_40] : memref<10240x128xf32, #tpu.memory_space<vmem_shared>> -> memref<128x128xf32, #tpu.memory_space<vmem_shared>>
      tpu.enqueue_dma source(%arg9 : memref<128x128xf32, #tpu.memory_space<vmem>>) target(%dma_start3A_41 : memref<128x128xf32, #tpu.memory_space<vmem_shared>>) target_semaphore(%run_scoped3A : memref<!tpu.dma_semaphore, #tpu.memory_space<semaphore_mem>>)
      %dma_wait3A = arith.constant 0 : i32
      %dma_wait3A_42 = tpu.memref_slice %arg10[%add3A_4, %dma_wait3A] : memref<10240x128xf32, #tpu.memory_space<vmem_shared>> -> memref<128x128xf32, #tpu.memory_space<vmem_shared>>
      %dma_wait3A_43 = arith.constant 0 : i32
      %dma_wait3A_44 = tpu.memref_slice %arg10[%add3A_4, %dma_wait3A_43] : memref<10240x128xf32, #tpu.memory_space<vmem_shared>> -> memref<128x128xf32, #tpu.memory_space<vmem_shared>>
      tpu.wait_dma2 semaphore(%run_scoped3A : memref<!tpu.dma_semaphore, #tpu.memory_space<semaphore_mem>>) src(%arg9 : memref<128x128xf32, #tpu.memory_space<vmem>>) dst(%dma_wait3A_44 : memref<128x128xf32, #tpu.memory_space<vmem_shared>>)
      tpu.yield
    }) : () -> ()
    %mul3A_5 = arith.constant 640 : i32
    %mul3A_6 = arith.muli %arg1, %mul3A_5 : i32
    %add3A_7 = arith.constant 128 : i32
    %add3A_8 = arith.addi %mul3A_6, %add3A_7 : i32
    "tpu.region"() ({
      %run_scoped3A = tpu.sem_alloc : memref<!tpu.dma_semaphore, #tpu.memory_space<semaphore_mem>>
      %dma_start3A = arith.constant 0 : i32
      %dma_start3A_39 = tpu.memref_slice %arg10[%add3A_8, %dma_start3A] : memref<10240x128xf32, #tpu.memory_space<vmem_shared>> -> memref<128x128xf32, #tpu.memory_space<vmem_shared>>
      %dma_start3A_40 = arith.constant 0 : i32
      %dma_start3A_41 = tpu.memref_slice %arg10[%add3A_8, %dma_start3A_40] : memref<10240x128xf32, #tpu.memory_space<vmem_shared>> -> memref<128x128xf32, #tpu.memory_space<vmem_shared>>
      tpu.enqueue_dma source(%arg9 : memref<128x128xf32, #tpu.memory_space<vmem>>) target(%dma_start3A_41 : memref<128x128xf32, #tpu.memory_space<vmem_shared>>) target_semaphore(%run_scoped3A : memref<!tpu.dma_semaphore, #tpu.memory_space<semaphore_mem>>)
      %dma_wait3A = arith.constant 0 : i32
      %dma_wait3A_42 = tpu.memref_slice %arg10[%add3A_8, %dma_wait3A] : memref<10240x128xf32, #tpu.memory_space<vmem_shared>> -> memref<128x128xf32, #tpu.memory_space<vmem_shared>>
      %dma_wait3A_43 = arith.constant 0 : i32
      %dma_wait3A_44 = tpu.memref_slice %arg10[%add3A_8, %dma_wait3A_43] : memref<10240x128xf32, #tpu.memory_space<vmem_shared>> -> memref<128x128xf32, #tpu.memory_space<vmem_shared>>
      tpu.wait_dma2 semaphore(%run_scoped3A : memref<!tpu.dma_semaphore, #tpu.memory_space<semaphore_mem>>) src(%arg9 : memref<128x128xf32, #tpu.memory_space<vmem>>) dst(%dma_wait3A_44 : memref<128x128xf32, #tpu.memory_space<vmem_shared>>)
      tpu.yield
    }) : () -> ()
    %mul3A_9 = arith.constant 640 : i32
    %mul3A_10 = arith.muli %arg1, %mul3A_9 : i32
    %add3A_11 = arith.constant 256 : i32
    %add3A_12 = arith.addi %mul3A_10, %add3A_11 : i32
    "tpu.region"() ({
      %run_scoped3A = tpu.sem_alloc : memref<!tpu.dma_semaphore, #tpu.memory_space<semaphore_mem>>
      %dma_start3A = arith.constant 0 : i32
      %dma_start3A_39 = tpu.memref_slice %arg10[%add3A_12, %dma_start3A] : memref<10240x128xf32, #tpu.memory_space<vmem_shared>> -> memref<128x128xf32, #tpu.memory_space<vmem_shared>>
      %dma_start3A_40 = arith.constant 0 : i32
      %dma_start3A_41 = tpu.memref_slice %arg10[%add3A_12, %dma_start3A_40] : memref<10240x128xf32, #tpu.memory_space<vmem_shared>> -> memref<128x128xf32, #tpu.memory_space<vmem_shared>>
      tpu.enqueue_dma source(%arg9 : memref<128x128xf32, #tpu.memory_space<vmem>>) target(%dma_start3A_41 : memref<128x128xf32, #tpu.memory_space<vmem_shared>>) target_semaphore(%run_scoped3A : memref<!tpu.dma_semaphore, #tpu.memory_space<semaphore_mem>>)
      %dma_wait3A = arith.constant 0 : i32
      %dma_wait3A_42 = tpu.memref_slice %arg10[%add3A_12, %dma_wait3A] : memref<10240x128xf32, #tpu.memory_space<vmem_shared>> -> memref<128x128xf32, #tpu.memory_space<vmem_shared>>
      %dma_wait3A_43 = arith.constant 0 : i32
      %dma_wait3A_44 = tpu.memref_slice %arg10[%add3A_12, %dma_wait3A_43] : memref<10240x128xf32, #tpu.memory_space<vmem_shared>> -> memref<128x128xf32, #tpu.memory_space<vmem_shared>>
      tpu.wait_dma2 semaphore(%run_scoped3A : memref<!tpu.dma_semaphore, #tpu.memory_space<semaphore_mem>>) src(%arg9 : memref<128x128xf32, #tpu.memory_space<vmem>>) dst(%dma_wait3A_44 : memref<128x128xf32, #tpu.memory_space<vmem_shared>>)
      tpu.yield
    }) : () -> ()
    %mul3A_13 = arith.constant 640 : i32
    %mul3A_14 = arith.muli %arg1, %mul3A_13 : i32
    %add3A_15 = arith.constant 384 : i32
    %add3A_16 = arith.addi %mul3A_14, %add3A_15 : i32
    "tpu.region"() ({
      %run_scoped3A = tpu.sem_alloc : memref<!tpu.dma_semaphore, #tpu.memory_space<semaphore_mem>>
      %dma_start3A = arith.constant 0 : i32
      %dma_start3A_39 = tpu.memref_slice %arg10[%add3A_16, %dma_start3A] : memref<10240x128xf32, #tpu.memory_space<vmem_shared>> -> memref<128x128xf32, #tpu.memory_space<vmem_shared>>
      %dma_start3A_40 = arith.constant 0 : i32
      %dma_start3A_41 = tpu.memref_slice %arg10[%add3A_16, %dma_start3A_40] : memref<10240x128xf32, #tpu.memory_space<vmem_shared>> -> memref<128x128xf32, #tpu.memory_space<vmem_shared>>
      tpu.enqueue_dma source(%arg9 : memref<128x128xf32, #tpu.memory_space<vmem>>) target(%dma_start3A_41 : memref<128x128xf32, #tpu.memory_space<vmem_shared>>) target_semaphore(%run_scoped3A : memref<!tpu.dma_semaphore, #tpu.memory_space<semaphore_mem>>)
      %dma_wait3A = arith.constant 0 : i32
      %dma_wait3A_42 = tpu.memref_slice %arg10[%add3A_16, %dma_wait3A] : memref<10240x128xf32, #tpu.memory_space<vmem_shared>> -> memref<128x128xf32, #tpu.memory_space<vmem_shared>>
      %dma_wait3A_43 = arith.constant 0 : i32
      %dma_wait3A_44 = tpu.memref_slice %arg10[%add3A_16, %dma_wait3A_43] : memref<10240x128xf32, #tpu.memory_space<vmem_shared>> -> memref<128x128xf32, #tpu.memory_space<vmem_shared>>
      tpu.wait_dma2 semaphore(%run_scoped3A : memref<!tpu.dma_semaphore, #tpu.memory_space<semaphore_mem>>) src(%arg9 : memref<128x128xf32, #tpu.memory_space<vmem>>) dst(%dma_wait3A_44 : memref<128x128xf32, #tpu.memory_space<vmem_shared>>)
      tpu.yield
    }) : () -> ()
    %mul3A_17 = arith.constant 640 : i32
    %mul3A_18 = arith.muli %arg1, %mul3A_17 : i32
    %add3A_19 = arith.constant 512 : i32
    %add3A_20 = arith.addi %mul3A_18, %add3A_19 : i32
    "tpu.region"() ({
      %run_scoped3A = tpu.sem_alloc : memref<!tpu.dma_semaphore, #tpu.memory_space<semaphore_mem>>
      %dma_start3A = arith.constant 0 : i32
      %dma_start3A_39 = tpu.memref_slice %arg10[%add3A_20, %dma_start3A] : memref<10240x128xf32, #tpu.memory_space<vmem_shared>> -> memref<128x128xf32, #tpu.memory_space<vmem_shared>>
      %dma_start3A_40 = arith.constant 0 : i32
      %dma_start3A_41 = tpu.memref_slice %arg10[%add3A_20, %dma_start3A_40] : memref<10240x128xf32, #tpu.memory_space<vmem_shared>> -> memref<128x128xf32, #tpu.memory_space<vmem_shared>>
      tpu.enqueue_dma source(%arg9 : memref<128x128xf32, #tpu.memory_space<vmem>>) target(%dma_start3A_41 : memref<128x128xf32, #tpu.memory_space<vmem_shared>>) target_semaphore(%run_scoped3A : memref<!tpu.dma_semaphore, #tpu.memory_space<semaphore_mem>>)
      %dma_wait3A = arith.constant 0 : i32
      %dma_wait3A_42 = tpu.memref_slice %arg10[%add3A_20, %dma_wait3A] : memref<10240x128xf32, #tpu.memory_space<vmem_shared>> -> memref<128x128xf32, #tpu.memory_space<vmem_shared>>
      %dma_wait3A_43 = arith.constant 0 : i32
      %dma_wait3A_44 = tpu.memref_slice %arg10[%add3A_20, %dma_wait3A_43] : memref<10240x128xf32, #tpu.memory_space<vmem_shared>> -> memref<128x128xf32, #tpu.memory_space<vmem_shared>>
      tpu.wait_dma2 semaphore(%run_scoped3A : memref<!tpu.dma_semaphore, #tpu.memory_space<semaphore_mem>>) src(%arg9 : memref<128x128xf32, #tpu.memory_space<vmem>>) dst(%dma_wait3A_44 : memref<128x128xf32, #tpu.memory_space<vmem_shared>>)
      tpu.yield
    }) : () -> ()
    %barrier3A = arith.constant 0 : index
    tpu.barrier barrier_id(%barrier3A)
    "tpu.region"() ({
      %run_scoped3A = tpu.sem_alloc : memref<!tpu.dma_semaphore, #tpu.memory_space<semaphore_mem>>
      %dma_start3A = arith.constant 0 : i32
      %dma_start3A_39 = arith.constant 0 : i32
      %dma_start3A_40 = tpu.memref_slice %arg3[%add3A, %dma_start3A, %dma_start3A_39] : memref<32x107x128xi32, #tpu.memory_space<hbm>> -> memref<1x107x128xi32, #tpu.memory_space<hbm>>
      %dma_start3A_41 = tpu.memref_squeeze %dma_start3A_40 : memref<1x107x128xi32, #tpu.memory_space<hbm>> -> memref<107x128xi32, #tpu.memory_space<hbm>>
      %dma_start3A_42 = arith.constant 0 : i32
      %dma_start3A_43 = arith.constant 0 : i32
      %dma_start3A_44 = tpu.memref_slice %arg3[%add3A, %dma_start3A_42, %dma_start3A_43] : memref<32x107x128xi32, #tpu.memory_space<hbm>> -> memref<1x107x128xi32, #tpu.memory_space<hbm>>
      %dma_start3A_45 = tpu.memref_squeeze %dma_start3A_44 : memref<1x107x128xi32, #tpu.memory_space<hbm>> -> memref<107x128xi32, #tpu.memory_space<hbm>>
      tpu.enqueue_dma source(%dma_start3A_45 : memref<107x128xi32, #tpu.memory_space<hbm>>) target(%arg7 : memref<107x128xi32, #tpu.memory_space<vmem>>) target_semaphore(%run_scoped3A : memref<!tpu.dma_semaphore, #tpu.memory_space<semaphore_mem>>)
      %dma_wait3A = arith.constant 0 : i32
      %dma_wait3A_46 = arith.constant 0 : i32
      %dma_wait3A_47 = tpu.memref_slice %arg3[%add3A, %dma_wait3A, %dma_wait3A_46] : memref<32x107x128xi32, #tpu.memory_space<hbm>> -> memref<1x107x128xi32, #tpu.memory_space<hbm>>
      %dma_wait3A_48 = tpu.memref_squeeze %dma_wait3A_47 : memref<1x107x128xi32, #tpu.memory_space<hbm>> -> memref<107x128xi32, #tpu.memory_space<hbm>>
      %dma_wait3A_49 = arith.constant 0 : i32
      %dma_wait3A_50 = arith.constant 0 : i32
      %dma_wait3A_51 = tpu.memref_slice %arg3[%add3A, %dma_wait3A_49, %dma_wait3A_50] : memref<32x107x128xi32, #tpu.memory_space<hbm>> -> memref<1x107x128xi32, #tpu.memory_space<hbm>>
      %dma_wait3A_52 = tpu.memref_squeeze %dma_wait3A_51 : memref<1x107x128xi32, #tpu.memory_space<hbm>> -> memref<107x128xi32, #tpu.memory_space<hbm>>
      tpu.wait_dma2 semaphore(%run_scoped3A : memref<!tpu.dma_semaphore, #tpu.memory_space<semaphore_mem>>) src(%dma_wait3A_52 : memref<107x128xi32, #tpu.memory_space<hbm>>) dst(%arg7 : memref<107x128xi32, #tpu.memory_space<vmem>>)
      tpu.yield
    }) : () -> ()
    "tpu.region"() ({
      %run_scoped3A = tpu.sem_alloc : memref<!tpu.dma_semaphore, #tpu.memory_space<semaphore_mem>>
      %dma_start3A = arith.constant 0 : i32
      %dma_start3A_39 = arith.constant 0 : i32
      %dma_start3A_40 = tpu.memref_slice %arg4[%add3A, %dma_start3A, %dma_start3A_39] : memref<32x107x128xi32, #tpu.memory_space<hbm>> -> memref<1x107x128xi32, #tpu.memory_space<hbm>>
      %dma_start3A_41 = tpu.memref_squeeze %dma_start3A_40 : memref<1x107x128xi32, #tpu.memory_space<hbm>> -> memref<107x128xi32, #tpu.memory_space<hbm>>
      %dma_start3A_42 = arith.constant 0 : i32
      %dma_start3A_43 = arith.constant 0 : i32
      %dma_start3A_44 = tpu.memref_slice %arg4[%add3A, %dma_start3A_42, %dma_start3A_43] : memref<32x107x128xi32, #tpu.memory_space<hbm>> -> memref<1x107x128xi32, #tpu.memory_space<hbm>>
      %dma_start3A_45 = tpu.memref_squeeze %dma_start3A_44 : memref<1x107x128xi32, #tpu.memory_space<hbm>> -> memref<107x128xi32, #tpu.memory_space<hbm>>
      tpu.enqueue_dma source(%dma_start3A_45 : memref<107x128xi32, #tpu.memory_space<hbm>>) target(%arg8 : memref<107x128xi32, #tpu.memory_space<vmem>>) target_semaphore(%run_scoped3A : memref<!tpu.dma_semaphore, #tpu.memory_space<semaphore_mem>>)
      %dma_wait3A = arith.constant 0 : i32
      %dma_wait3A_46 = arith.constant 0 : i32
      %dma_wait3A_47 = tpu.memref_slice %arg4[%add3A, %dma_wait3A, %dma_wait3A_46] : memref<32x107x128xi32, #tpu.memory_space<hbm>> -> memref<1x107x128xi32, #tpu.memory_space<hbm>>
      %dma_wait3A_48 = tpu.memref_squeeze %dma_wait3A_47 : memref<1x107x128xi32, #tpu.memory_space<hbm>> -> memref<107x128xi32, #tpu.memory_space<hbm>>
      %dma_wait3A_49 = arith.constant 0 : i32
      %dma_wait3A_50 = arith.constant 0 : i32
      %dma_wait3A_51 = tpu.memref_slice %arg4[%add3A, %dma_wait3A_49, %dma_wait3A_50] : memref<32x107x128xi32, #tpu.memory_space<hbm>> -> memref<1x107x128xi32, #tpu.memory_space<hbm>>
      %dma_wait3A_52 = tpu.memref_squeeze %dma_wait3A_51 : memref<1x107x128xi32, #tpu.memory_space<hbm>> -> memref<107x128xi32, #tpu.memory_space<hbm>>
      tpu.wait_dma2 semaphore(%run_scoped3A : memref<!tpu.dma_semaphore, #tpu.memory_space<semaphore_mem>>) src(%dma_wait3A_52 : memref<107x128xi32, #tpu.memory_space<hbm>>) dst(%arg8 : memref<107x128xi32, #tpu.memory_space<vmem>>)
      tpu.yield
    }) : () -> ()
    %eq3A = arith.constant 0 : i32
    %eq3A_21 = arith.cmpi eq, %arg0, %eq3A : i32
    %jit3A = arith.constant 50 : i32
    %jit3A_22 = arith.constant 107 : i32
    %select_n3A = arith.select %eq3A_21, %jit3A, %jit3A_22 : i32
    %while3A = arith.constant 0 : i32
    %while3A_23 = arith.subi %select_n3A, %while3A : i32
    %while3A_24 = arith.addi %while3A, %while3A_23 : i32
    %while3A_25 = arith.constant 1 : i32
    %while3A_26 = arith.divsi %while3A_23, %while3A_25 : i32
    %while3A_27 = arith.muli %while3A_26, %while3A_25 : i32
    %while3A_28 = arith.addi %while3A, %while3A_27 : i32
    %while3A_29 = arith.constant 1 : i32
    scf.for %while3A_39 = %while3A to %while3A_28 step %while3A_29  : i32 {
      %dma_start3A = arith.constant 0 : i32
      %dma_start3A_40 = tpu.memref_slice %arg7[%while3A_39, %dma_start3A] : memref<107x128xi32, #tpu.memory_space<vmem>> -> memref<1x128xi32, #tpu.memory_space<vmem>>
      %dma_start3A_41 = tpu.memref_squeeze %dma_start3A_40 : memref<1x128xi32, #tpu.memory_space<vmem>> -> memref<128xi32, #tpu.memory_space<vmem>>
      %dma_start3A_42 = arith.constant 0 : i32
      %dma_start3A_43 = arith.constant 0 : i32
      %dma_start3A_44 = tpu.memref_slice %arg2[%dma_start3A_42, %dma_start3A_43] : memref<10000x128xf32, #tpu.memory_space<hbm>> -> memref<10000x128xf32, #tpu.memory_space<hbm>>
      tpu.enqueue_indirect_dma source(%dma_start3A_44 : memref<10000x128xf32, #tpu.memory_space<hbm>>) target(%arg9 : memref<128x128xf32, #tpu.memory_space<vmem>>) offsets(%dma_start3A_41 : memref<128xi32, #tpu.memory_space<vmem>>) semaphore(%arg11 : memref<!tpu.dma_semaphore, #tpu.memory_space<semaphore_mem>>)
      %dma_wait3A = arith.constant 0 : i32
      %dma_wait3A_45 = tpu.memref_slice %arg7[%while3A_39, %dma_wait3A] : memref<107x128xi32, #tpu.memory_space<vmem>> -> memref<1x128xi32, #tpu.memory_space<vmem>>
      %dma_wait3A_46 = tpu.memref_squeeze %dma_wait3A_45 : memref<1x128xi32, #tpu.memory_space<vmem>> -> memref<128xi32, #tpu.memory_space<vmem>>
      %dma_wait3A_47 = arith.constant 0 : i32
      %dma_wait3A_48 = arith.constant 0 : i32
      %dma_wait3A_49 = tpu.memref_slice %arg2[%dma_wait3A_47, %dma_wait3A_48] : memref<10000x128xf32, #tpu.memory_space<hbm>> -> memref<10000x128xf32, #tpu.memory_space<hbm>>
      tpu.wait_indirect_dma semaphore(%arg11 : memref<!tpu.dma_semaphore, #tpu.memory_space<semaphore_mem>>) src(%dma_wait3A_49 : memref<10000x128xf32, #tpu.memory_space<hbm>>) dst(%arg9 : memref<128x128xf32, #tpu.memory_space<vmem>>)
      "tpu.region"() ({
        %run_scoped3A = tpu.sem_alloc : memref<!tpu.dma_semaphore, #tpu.memory_space<semaphore_mem>>
        %dma_start3A_50 = arith.constant 0 : i32
        %dma_start3A_51 = tpu.memref_slice %arg8[%while3A_39, %dma_start3A_50] : memref<107x128xi32, #tpu.memory_space<vmem>> -> memref<1x128xi32, #tpu.memory_space<vmem>>
        %dma_start3A_52 = tpu.memref_squeeze %dma_start3A_51 : memref<1x128xi32, #tpu.memory_space<vmem>> -> memref<128xi32, #tpu.memory_space<vmem>>
        %dma_start3A_53 = arith.constant 0 : i32
        %dma_start3A_54 = arith.constant 0 : i32
        %dma_start3A_55 = tpu.memref_slice %arg10[%dma_start3A_53, %dma_start3A_54] : memref<10240x128xf32, #tpu.memory_space<vmem_shared>> -> memref<10240x128xf32, #tpu.memory_space<vmem_shared>>
        tpu.enqueue_indirect_dma source(%arg9 : memref<128x128xf32, #tpu.memory_space<vmem>>) target(%dma_start3A_55 : memref<10240x128xf32, #tpu.memory_space<vmem_shared>>) offsets(%dma_start3A_52 : memref<128xi32, #tpu.memory_space<vmem>>) semaphore(%run_scoped3A : memref<!tpu.dma_semaphore, #tpu.memory_space<semaphore_mem>>) {add = true}
        %dma_wait3A_56 = arith.constant 0 : i32
        %dma_wait3A_57 = tpu.memref_slice %arg8[%while3A_39, %dma_wait3A_56] : memref<107x128xi32, #tpu.memory_space<vmem>> -> memref<1x128xi32, #tpu.memory_space<vmem>>
        %dma_wait3A_58 = tpu.memref_squeeze %dma_wait3A_57 : memref<1x128xi32, #tpu.memory_space<vmem>> -> memref<128xi32, #tpu.memory_space<vmem>>
        %dma_wait3A_59 = arith.constant 0 : i32
        %dma_wait3A_60 = arith.constant 0 : i32
        %dma_wait3A_61 = tpu.memref_slice %arg10[%dma_wait3A_59, %dma_wait3A_60] : memref<10240x128xf32, #tpu.memory_space<vmem_shared>> -> memref<10240x128xf32, #tpu.memory_space<vmem_shared>>
        tpu.wait_indirect_dma semaphore(%run_scoped3A : memref<!tpu.dma_semaphore, #tpu.memory_space<semaphore_mem>>) src(%arg9 : memref<128x128xf32, #tpu.memory_space<vmem>>) dst(%dma_wait3A_61 : memref<10240x128xf32, #tpu.memory_space<vmem_shared>>)
        tpu.yield
      }) : () -> ()
    }
    %while3A_30 = arith.constant 1 : i32
    scf.for %while3A_39 = %while3A_28 to %while3A_24 step %while3A_30  : i32 {
      %dma_start3A = arith.constant 0 : i32
      %dma_start3A_40 = tpu.memref_slice %arg7[%while3A_39, %dma_start3A] : memref<107x128xi32, #tpu.memory_space<vmem>> -> memref<1x128xi32, #tpu.memory_space<vmem>>
      %dma_start3A_41 = tpu.memref_squeeze %dma_start3A_40 : memref<1x128xi32, #tpu.memory_space<vmem>> -> memref<128xi32, #tpu.memory_space<vmem>>
      %dma_start3A_42 = arith.constant 0 : i32
      %dma_start3A_43 = arith.constant 0 : i32
      %dma_start3A_44 = tpu.memref_slice %arg2[%dma_start3A_42, %dma_start3A_43] : memref<10000x128xf32, #tpu.memory_space<hbm>> -> memref<10000x128xf32, #tpu.memory_space<hbm>>
      tpu.enqueue_indirect_dma source(%dma_start3A_44 : memref<10000x128xf32, #tpu.memory_space<hbm>>) target(%arg9 : memref<128x128xf32, #tpu.memory_space<vmem>>) offsets(%dma_start3A_41 : memref<128xi32, #tpu.memory_space<vmem>>) semaphore(%arg11 : memref<!tpu.dma_semaphore, #tpu.memory_space<semaphore_mem>>)
      %dma_wait3A = arith.constant 0 : i32
      %dma_wait3A_45 = tpu.memref_slice %arg7[%while3A_39, %dma_wait3A] : memref<107x128xi32, #tpu.memory_space<vmem>> -> memref<1x128xi32, #tpu.memory_space<vmem>>
      %dma_wait3A_46 = tpu.memref_squeeze %dma_wait3A_45 : memref<1x128xi32, #tpu.memory_space<vmem>> -> memref<128xi32, #tpu.memory_space<vmem>>
      %dma_wait3A_47 = arith.constant 0 : i32
      %dma_wait3A_48 = arith.constant 0 : i32
      %dma_wait3A_49 = tpu.memref_slice %arg2[%dma_wait3A_47, %dma_wait3A_48] : memref<10000x128xf32, #tpu.memory_space<hbm>> -> memref<10000x128xf32, #tpu.memory_space<hbm>>
      tpu.wait_indirect_dma semaphore(%arg11 : memref<!tpu.dma_semaphore, #tpu.memory_space<semaphore_mem>>) src(%dma_wait3A_49 : memref<10000x128xf32, #tpu.memory_space<hbm>>) dst(%arg9 : memref<128x128xf32, #tpu.memory_space<vmem>>)
      "tpu.region"() ({
        %run_scoped3A = tpu.sem_alloc : memref<!tpu.dma_semaphore, #tpu.memory_space<semaphore_mem>>
        %dma_start3A_50 = arith.constant 0 : i32
        %dma_start3A_51 = tpu.memref_slice %arg8[%while3A_39, %dma_start3A_50] : memref<107x128xi32, #tpu.memory_space<vmem>> -> memref<1x128xi32, #tpu.memory_space<vmem>>
        %dma_start3A_52 = tpu.memref_squeeze %dma_start3A_51 : memref<1x128xi32, #tpu.memory_space<vmem>> -> memref<128xi32, #tpu.memory_space<vmem>>
        %dma_start3A_53 = arith.constant 0 : i32
        %dma_start3A_54 = arith.constant 0 : i32
        %dma_start3A_55 = tpu.memref_slice %arg10[%dma_start3A_53, %dma_start3A_54] : memref<10240x128xf32, #tpu.memory_space<vmem_shared>> -> memref<10240x128xf32, #tpu.memory_space<vmem_shared>>
        tpu.enqueue_indirect_dma source(%arg9 : memref<128x128xf32, #tpu.memory_space<vmem>>) target(%dma_start3A_55 : memref<10240x128xf32, #tpu.memory_space<vmem_shared>>) offsets(%dma_start3A_52 : memref<128xi32, #tpu.memory_space<vmem>>) semaphore(%run_scoped3A : memref<!tpu.dma_semaphore, #tpu.memory_space<semaphore_mem>>) {add = true}
        %dma_wait3A_56 = arith.constant 0 : i32
        %dma_wait3A_57 = tpu.memref_slice %arg8[%while3A_39, %dma_wait3A_56] : memref<107x128xi32, #tpu.memory_space<vmem>> -> memref<1x128xi32, #tpu.memory_space<vmem>>
        %dma_wait3A_58 = tpu.memref_squeeze %dma_wait3A_57 : memref<1x128xi32, #tpu.memory_space<vmem>> -> memref<128xi32, #tpu.memory_space<vmem>>
        %dma_wait3A_59 = arith.constant 0 : i32
        %dma_wait3A_60 = arith.constant 0 : i32
        %dma_wait3A_61 = tpu.memref_slice %arg10[%dma_wait3A_59, %dma_wait3A_60] : memref<10240x128xf32, #tpu.memory_space<vmem_shared>> -> memref<10240x128xf32, #tpu.memory_space<vmem_shared>>
        tpu.wait_indirect_dma semaphore(%run_scoped3A : memref<!tpu.dma_semaphore, #tpu.memory_space<semaphore_mem>>) src(%arg9 : memref<128x128xf32, #tpu.memory_space<vmem>>) dst(%dma_wait3A_61 : memref<10240x128xf32, #tpu.memory_space<vmem_shared>>)
        tpu.yield
      }) : () -> ()
    }
    %barrier3A_31 = arith.constant 0 : index
    tpu.barrier barrier_id(%barrier3A_31)
    %lt3A = arith.constant 15 : i32
    %lt3A_32 = arith.cmpi slt, %arg1, %lt3A : i32
    %convert_element_type3A = arith.extui %lt3A_32 : i1 to i32
    %cond3A = arith.constant 0 : i32
    %cond3A_33 = arith.cmpi ne, %convert_element_type3A, %cond3A : i32
    scf.if %cond3A_33 {
      %mul3A_39 = arith.constant 640 : i32
      %mul3A_40 = arith.muli %arg1, %mul3A_39 : i32
      %mul3A_41 = arith.constant 640 : i32
      %mul3A_42 = arith.muli %arg1, %mul3A_41 : i32
      "tpu.region"() ({
        %run_scoped3A = tpu.sem_alloc : memref<!tpu.dma_semaphore, #tpu.memory_space<semaphore_mem>>
        %dma_start3A = arith.constant 0 : i32
        %dma_start3A_43 = tpu.memref_slice %arg6[%arg0, %mul3A_42, %dma_start3A] : memref<2x10000x128xf32, #tpu.memory_space<hbm>> -> memref<1x640x128xf32, #tpu.memory_space<hbm>>
        %dma_start3A_44 = tpu.memref_squeeze %dma_start3A_43 : memref<1x640x128xf32, #tpu.memory_space<hbm>> -> memref<640x128xf32, #tpu.memory_space<hbm>>
        %dma_start3A_45 = arith.constant 0 : i32
        %dma_start3A_46 = tpu.memref_slice %arg10[%mul3A_40, %dma_start3A_45] : memref<10240x128xf32, #tpu.memory_space<vmem_shared>> -> memref<640x128xf32, #tpu.memory_space<vmem_shared>>
        tpu.enqueue_dma source(%dma_start3A_46 : memref<640x128xf32, #tpu.memory_space<vmem_shared>>) target(%dma_start3A_44 : memref<640x128xf32, #tpu.memory_space<hbm>>) target_semaphore(%run_scoped3A : memref<!tpu.dma_semaphore, #tpu.memory_space<semaphore_mem>>)
        %dma_wait3A = arith.constant 0 : i32
        %dma_wait3A_47 = tpu.memref_slice %arg6[%arg0, %mul3A_42, %dma_wait3A] : memref<2x10000x128xf32, #tpu.memory_space<hbm>> -> memref<1x640x128xf32, #tpu.memory_space<hbm>>
        %dma_wait3A_48 = tpu.memref_squeeze %dma_wait3A_47 : memref<1x640x128xf32, #tpu.memory_space<hbm>> -> memref<640x128xf32, #tpu.memory_space<hbm>>
        %dma_wait3A_49 = arith.constant 0 : i32
        %dma_wait3A_50 = tpu.memref_slice %arg10[%mul3A_40, %dma_wait3A_49] : memref<10240x128xf32, #tpu.memory_space<vmem_shared>> -> memref<640x128xf32, #tpu.memory_space<vmem_shared>>
        tpu.wait_dma2 semaphore(%run_scoped3A : memref<!tpu.dma_semaphore, #tpu.memory_space<semaphore_mem>>) src(%dma_wait3A_50 : memref<640x128xf32, #tpu.memory_space<vmem_shared>>) dst(%dma_wait3A_48 : memref<640x128xf32, #tpu.memory_space<hbm>>)
        tpu.yield
      }) : () -> ()
    } else {
    }
    %eq3A_34 = arith.constant 15 : i32
    %eq3A_35 = arith.cmpi eq, %arg1, %eq3A_34 : i32
    %convert_element_type3A_36 = arith.extui %eq3A_35 : i1 to i32
    %cond3A_37 = arith.constant 0 : i32
    %cond3A_38 = arith.cmpi ne, %convert_element_type3A_36, %cond3A_37 : i32
    scf.if %cond3A_38 {
      "tpu.region"() ({
        %run_scoped3A = tpu.sem_alloc : memref<!tpu.dma_semaphore, #tpu.memory_space<semaphore_mem>>
        %dma_start3A = arith.constant 9600 : i32
        %dma_start3A_39 = arith.constant 0 : i32
        %dma_start3A_40 = tpu.memref_slice %arg6[%arg0, %dma_start3A, %dma_start3A_39] : memref<2x10000x128xf32, #tpu.memory_space<hbm>> -> memref<1x400x128xf32, #tpu.memory_space<hbm>>
        %dma_start3A_41 = tpu.memref_squeeze %dma_start3A_40 : memref<1x400x128xf32, #tpu.memory_space<hbm>> -> memref<400x128xf32, #tpu.memory_space<hbm>>
        %dma_start3A_42 = arith.constant 9600 : i32
        %dma_start3A_43 = arith.constant 0 : i32
        %dma_start3A_44 = tpu.memref_slice %arg10[%dma_start3A_42, %dma_start3A_43] : memref<10240x128xf32, #tpu.memory_space<vmem_shared>> -> memref<400x128xf32, #tpu.memory_space<vmem_shared>>
        tpu.enqueue_dma source(%dma_start3A_44 : memref<400x128xf32, #tpu.memory_space<vmem_shared>>) target(%dma_start3A_41 : memref<400x128xf32, #tpu.memory_space<hbm>>) target_semaphore(%run_scoped3A : memref<!tpu.dma_semaphore, #tpu.memory_space<semaphore_mem>>)
        %dma_wait3A = arith.constant 9600 : i32
        %dma_wait3A_45 = arith.constant 0 : i32
        %dma_wait3A_46 = tpu.memref_slice %arg6[%arg0, %dma_wait3A, %dma_wait3A_45] : memref<2x10000x128xf32, #tpu.memory_space<hbm>> -> memref<1x400x128xf32, #tpu.memory_space<hbm>>
        %dma_wait3A_47 = tpu.memref_squeeze %dma_wait3A_46 : memref<1x400x128xf32, #tpu.memory_space<hbm>> -> memref<400x128xf32, #tpu.memory_space<hbm>>
        %dma_wait3A_48 = arith.constant 9600 : i32
        %dma_wait3A_49 = arith.constant 0 : i32
        %dma_wait3A_50 = tpu.memref_slice %arg10[%dma_wait3A_48, %dma_wait3A_49] : memref<10240x128xf32, #tpu.memory_space<vmem_shared>> -> memref<400x128xf32, #tpu.memory_space<vmem_shared>>
        tpu.wait_dma2 semaphore(%run_scoped3A : memref<!tpu.dma_semaphore, #tpu.memory_space<semaphore_mem>>) src(%dma_wait3A_50 : memref<400x128xf32, #tpu.memory_space<vmem_shared>>) dst(%dma_wait3A_47 : memref<400x128xf32, #tpu.memory_space<hbm>>)
        tpu.yield
      }) : () -> ()
    } else {
    }
    return
  }
}

module attributes {stable_mosaic.version = 14 : i64} {
  func.func @body(%arg0: memref<10000x128xf32, #tpu.memory_space<vmem>>, %arg1: memref<1x10000xi32, #tpu.memory_space<vmem>>, %arg2: memref<10000x1xi32, #tpu.memory_space<vmem>>, %arg3: memref<1x128xf32, #tpu.memory_space<vmem>>, %arg4: memref<1x128xf32, #tpu.memory_space<vmem>>, %arg5: memref<1x128xf32, #tpu.memory_space<vmem>>, %arg6: memref<10000x128xf32, #tpu.memory_space<vmem>>) attributes {dimension_semantics = [], scalar_prefetch = 0 : i64, scratch_operands = 0 : i64, tpu.core_type = #tpu.core_type<tc>} {
    %get3A = arith.constant 0 : index
    %get3A_0 = arith.constant 0 : index
    %get3A_1 = vector.load %arg1[%get3A, %get3A_0] : memref<1x10000xi32, #tpu.memory_space<vmem>>, vector<1x10000xi32>
    %get3A_2 = arith.constant 0 : index
    %get3A_3 = arith.constant 0 : index
    %get3A_4 = vector.load %arg2[%get3A_2, %get3A_3] : memref<10000x1xi32, #tpu.memory_space<vmem>>, vector<10000x1xi32>
    %iota3A = tpu.iota {dimensions = array<i32: 0>} : vector<8x10000xi32>
    %eq3A = vector.broadcast %get3A_1 : vector<1x10000xi32> to vector<8x10000xi32>
    %eq3A_5 = arith.cmpi eq, %iota3A, %eq3A : vector<8x10000xi32>
    %convert_element_type3A = arith.extui %eq3A_5 : vector<8x10000xi1> to vector<8x10000xi32>
    %convert_element_type3A_6 = arith.sitofp %convert_element_type3A : vector<8x10000xi32> to vector<8x10000xf32>
    %iota3A_7 = tpu.iota {dimensions = array<i32: 1>} : vector<10000x8xi32>
    %eq3A_8 = vector.broadcast %get3A_4 : vector<10000x1xi32> to vector<10000x8xi32>
    %eq3A_9 = arith.cmpi eq, %iota3A_7, %eq3A_8 : vector<10000x8xi32>
    %convert_element_type3A_10 = arith.extui %eq3A_9 : vector<10000x8xi1> to vector<10000x8xi32>
    %convert_element_type3A_11 = arith.sitofp %convert_element_type3A_10 : vector<10000x8xi32> to vector<10000x8xf32>
    %get3A_12 = arith.constant 0 : index
    %get3A_13 = arith.constant 0 : index
    %get3A_14 = vector.load %arg0[%get3A_12, %get3A_13] : memref<10000x128xf32, #tpu.memory_space<vmem>>, vector<10000x128xf32>
    %get3A_15 = arith.constant 0 : index
    %get3A_16 = arith.constant 0 : index
    %get3A_17 = vector.load %arg3[%get3A_15, %get3A_16] : memref<1x128xf32, #tpu.memory_space<vmem>>, vector<1x128xf32>
    %get3A_18 = arith.constant 0 : index
    %get3A_19 = arith.constant 0 : index
    %get3A_20 = vector.load %arg4[%get3A_18, %get3A_19] : memref<1x128xf32, #tpu.memory_space<vmem>>, vector<1x128xf32>
    %get3A_21 = arith.constant 0 : index
    %get3A_22 = arith.constant 0 : index
    %get3A_23 = vector.load %arg5[%get3A_21, %get3A_22] : memref<1x128xf32, #tpu.memory_space<vmem>>, vector<1x128xf32>
    %reduce_sum3A = arith.constant dense<0.000000e+00> : vector<8xf32>
    %reduce_sum3A_24 = vector.multi_reduction <add>, %convert_element_type3A_6, %reduce_sum3A [1] : vector<8x10000xf32> to vector<8xf32>
    %broadcast_in_dim3A = vector.shape_cast %reduce_sum3A_24 : vector<8xf32> to vector<8x1xf32>
    %max3A = arith.constant 1.000000e+00 : f32
    %max3A_25 = vector.broadcast %max3A : f32 to vector<8x1xf32>
    %max3A_26 = arith.maximumf %broadcast_in_dim3A, %max3A_25 : vector<8x1xf32>
    %dot_general3A = arith.constant dense<0.000000e+00> : vector<8x128xf32>
    %dot_general3A_27 = tpu.matmul %convert_element_type3A_6, %get3A_14, %dot_general3A {dimension_numbers = #tpu.dot_dimension_numbers<[1], [0], [0], [1], [0, 0, 1, 1], [], []>, transpose_lhs_hint = false} : vector<8x10000xf32>, vector<10000x128xf32>, vector<8x128xf32> -> vector<8x128xf32>
    %div3A = vector.broadcast %max3A_26 : vector<8x1xf32> to vector<8x128xf32>
    %div3A_28 = arith.divf %dot_general3A_27, %div3A : vector<8x128xf32>
    %dot_general3A_29 = arith.constant dense<0.000000e+00> : vector<10000x128xf32>
    %dot_general3A_30 = tpu.matmul %convert_element_type3A_11, %div3A_28, %dot_general3A_29 {dimension_numbers = #tpu.dot_dimension_numbers<[1], [0], [0], [1], [0, 0, 1, 1], [], []>, transpose_lhs_hint = false} : vector<10000x8xf32>, vector<8x128xf32>, vector<10000x128xf32> -> vector<10000x128xf32>
    %mul3A = vector.broadcast %get3A_23 : vector<1x128xf32> to vector<10000x128xf32>
    %mul3A_31 = arith.mulf %mul3A, %dot_general3A_30 : vector<10000x128xf32>
    %sub3A = arith.subf %get3A_14, %mul3A_31 : vector<10000x128xf32>
    %mul3A_32 = arith.mulf %sub3A, %sub3A : vector<10000x128xf32>
    %dot_general3A_33 = arith.constant dense<0.000000e+00> : vector<8x128xf32>
    %dot_general3A_34 = tpu.matmul %convert_element_type3A_6, %mul3A_32, %dot_general3A_33 {dimension_numbers = #tpu.dot_dimension_numbers<[1], [0], [0], [1], [0, 0, 1, 1], [], []>, transpose_lhs_hint = false} : vector<8x10000xf32>, vector<10000x128xf32>, vector<8x128xf32> -> vector<8x128xf32>
    %div3A_35 = vector.broadcast %max3A_26 : vector<8x1xf32> to vector<8x128xf32>
    %div3A_36 = arith.divf %dot_general3A_34, %div3A_35 : vector<8x128xf32>
    %add3A = arith.constant 9.99999974E-6 : f32
    %add3A_37 = vector.broadcast %add3A : f32 to vector<8x128xf32>
    %add3A_38 = arith.addf %div3A_36, %add3A_37 : vector<8x128xf32>
    %rsqrt3A = math.rsqrt %add3A_38 : vector<8x128xf32>
    %mul3A_39 = vector.broadcast %get3A_17 : vector<1x128xf32> to vector<10000x128xf32>
    %mul3A_40 = arith.mulf %mul3A_39, %sub3A : vector<10000x128xf32>
    %dot_general3A_41 = arith.constant dense<0.000000e+00> : vector<10000x128xf32>
    %dot_general3A_42 = tpu.matmul %convert_element_type3A_11, %rsqrt3A, %dot_general3A_41 {dimension_numbers = #tpu.dot_dimension_numbers<[1], [0], [0], [1], [0, 0, 1, 1], [], []>, transpose_lhs_hint = false} : vector<10000x8xf32>, vector<8x128xf32>, vector<10000x128xf32> -> vector<10000x128xf32>
    %mul3A_43 = arith.mulf %mul3A_40, %dot_general3A_42 : vector<10000x128xf32>
    %add3A_44 = vector.broadcast %get3A_20 : vector<1x128xf32> to vector<10000x128xf32>
    %add3A_45 = arith.addf %mul3A_43, %add3A_44 : vector<10000x128xf32>
    %swap3A = arith.constant 0 : index
    %swap3A_46 = arith.constant 0 : index
    %swap3A_47 = vector.load %arg6[%swap3A, %swap3A_46] : memref<10000x128xf32, #tpu.memory_space<vmem>>, vector<10000x128xf32>
    tpu.vector_store %arg6[%swap3A, %swap3A_46], %add3A_45 {strides = array<i32>} : memref<10000x128xf32, #tpu.memory_space<vmem>>, vector<10000x128xf32>,
    return
  }
}

module attributes {stable_mosaic.version = 14 : i64} {
  func.func @body(%arg0: memref<2x10000x128xf32, #tpu.memory_space<vmem>>, %arg1: memref<10000x128xf32, #tpu.memory_space<vmem>>, %arg2: memref<128x128xf32, #tpu.memory_space<vmem>>, %arg3: memref<1x128xf32, #tpu.memory_space<vmem>>, %arg4: memref<128x128xf32, #tpu.memory_space<vmem>>, %arg5: memref<1x128xf32, #tpu.memory_space<vmem>>, %arg6: memref<1x128xf32, #tpu.memory_space<vmem>>, %arg7: memref<1x128xf32, #tpu.memory_space<vmem>>, %arg8: memref<1x10000xi32, #tpu.memory_space<vmem>>, %arg9: memref<10000x1xi32, #tpu.memory_space<vmem>>, %arg10: memref<10000x128xf32, #tpu.memory_space<vmem>>) attributes {dimension_semantics = [], scalar_prefetch = 0 : i64, scratch_operands = 0 : i64, tpu.core_type = #tpu.core_type<tc>} {
    %get3A = arith.constant 0 : index
    %get3A_0 = arith.constant 0 : index
    %get3A_1 = arith.constant 0 : index
    %get3A_2 = vector.load %arg0[%get3A, %get3A_0, %get3A_1] : memref<2x10000x128xf32, #tpu.memory_space<vmem>>, vector<1x10000x128xf32>
    %get3A_3 = vector.shape_cast %get3A_2 : vector<1x10000x128xf32> to vector<10000x128xf32>
    %get3A_4 = arith.constant 1 : index
    %get3A_5 = arith.constant 0 : index
    %get3A_6 = arith.constant 0 : index
    %get3A_7 = vector.load %arg0[%get3A_4, %get3A_5, %get3A_6] : memref<2x10000x128xf32, #tpu.memory_space<vmem>>, vector<1x10000x128xf32>
    %get3A_8 = vector.shape_cast %get3A_7 : vector<1x10000x128xf32> to vector<10000x128xf32>
    %add3A = arith.addf %get3A_3, %get3A_8 : vector<10000x128xf32>
    %get3A_9 = arith.constant 0 : index
    %get3A_10 = arith.constant 0 : index
    %get3A_11 = vector.load %arg2[%get3A_9, %get3A_10] : memref<128x128xf32, #tpu.memory_space<vmem>>, vector<128x128xf32>
    %dot_general3A = arith.constant dense<0.000000e+00> : vector<10000x128xf32>
    %dot_general3A_12 = tpu.matmul %add3A, %get3A_11, %dot_general3A {dimension_numbers = #tpu.dot_dimension_numbers<[1], [1], [0], [0], [0, 0, 1, 0], [], []>, transpose_lhs_hint = false} : vector<10000x128xf32>, vector<128x128xf32>, vector<10000x128xf32> -> vector<10000x128xf32>
    %get3A_13 = arith.constant 0 : index
    %get3A_14 = arith.constant 0 : index
    %get3A_15 = vector.load %arg3[%get3A_13, %get3A_14] : memref<1x128xf32, #tpu.memory_space<vmem>>, vector<1x128xf32>
    %add3A_16 = vector.broadcast %get3A_15 : vector<1x128xf32> to vector<10000x128xf32>
    %add3A_17 = arith.addf %dot_general3A_12, %add3A_16 : vector<10000x128xf32>
    %get3A_18 = arith.constant 0 : index
    %get3A_19 = arith.constant 0 : index
    %get3A_20 = vector.load %arg1[%get3A_18, %get3A_19] : memref<10000x128xf32, #tpu.memory_space<vmem>>, vector<10000x128xf32>
    %get3A_21 = arith.constant 0 : index
    %get3A_22 = arith.constant 0 : index
    %get3A_23 = vector.load %arg4[%get3A_21, %get3A_22] : memref<128x128xf32, #tpu.memory_space<vmem>>, vector<128x128xf32>
    %dot_general3A_24 = arith.constant dense<0.000000e+00> : vector<10000x128xf32>
    %dot_general3A_25 = tpu.matmul %get3A_20, %get3A_23, %dot_general3A_24 {dimension_numbers = #tpu.dot_dimension_numbers<[1], [1], [0], [0], [0, 0, 1, 0], [], []>, transpose_lhs_hint = false} : vector<10000x128xf32>, vector<128x128xf32>, vector<10000x128xf32> -> vector<10000x128xf32>
    %add3A_26 = arith.addf %add3A_17, %dot_general3A_25 : vector<10000x128xf32>
    %max3A = arith.constant 0.000000e+00 : f32
    %max3A_27 = vector.broadcast %max3A : f32 to vector<10000x128xf32>
    %max3A_28 = arith.maximumf %add3A_26, %max3A_27 : vector<10000x128xf32>
    %get3A_29 = arith.constant 0 : index
    %get3A_30 = arith.constant 0 : index
    %get3A_31 = vector.load %arg8[%get3A_29, %get3A_30] : memref<1x10000xi32, #tpu.memory_space<vmem>>, vector<1x10000xi32>
    %get3A_32 = arith.constant 0 : index
    %get3A_33 = arith.constant 0 : index
    %get3A_34 = vector.load %arg9[%get3A_32, %get3A_33] : memref<10000x1xi32, #tpu.memory_space<vmem>>, vector<10000x1xi32>
    %iota3A = tpu.iota {dimensions = array<i32: 0>} : vector<8x10000xi32>
    %eq3A = vector.broadcast %get3A_31 : vector<1x10000xi32> to vector<8x10000xi32>
    %eq3A_35 = arith.cmpi eq, %iota3A, %eq3A : vector<8x10000xi32>
    %convert_element_type3A = arith.extui %eq3A_35 : vector<8x10000xi1> to vector<8x10000xi32>
    %convert_element_type3A_36 = arith.sitofp %convert_element_type3A : vector<8x10000xi32> to vector<8x10000xf32>
    %iota3A_37 = tpu.iota {dimensions = array<i32: 1>} : vector<10000x8xi32>
    %eq3A_38 = vector.broadcast %get3A_34 : vector<10000x1xi32> to vector<10000x8xi32>
    %eq3A_39 = arith.cmpi eq, %iota3A_37, %eq3A_38 : vector<10000x8xi32>
    %convert_element_type3A_40 = arith.extui %eq3A_39 : vector<10000x8xi1> to vector<10000x8xi32>
    %convert_element_type3A_41 = arith.sitofp %convert_element_type3A_40 : vector<10000x8xi32> to vector<10000x8xf32>
    %get3A_42 = arith.constant 0 : index
    %get3A_43 = arith.constant 0 : index
    %get3A_44 = vector.load %arg5[%get3A_42, %get3A_43] : memref<1x128xf32, #tpu.memory_space<vmem>>, vector<1x128xf32>
    %get3A_45 = arith.constant 0 : index
    %get3A_46 = arith.constant 0 : index
    %get3A_47 = vector.load %arg6[%get3A_45, %get3A_46] : memref<1x128xf32, #tpu.memory_space<vmem>>, vector<1x128xf32>
    %get3A_48 = arith.constant 0 : index
    %get3A_49 = arith.constant 0 : index
    %get3A_50 = vector.load %arg7[%get3A_48, %get3A_49] : memref<1x128xf32, #tpu.memory_space<vmem>>, vector<1x128xf32>
    %reduce_sum3A = arith.constant dense<0.000000e+00> : vector<8xf32>
    %reduce_sum3A_51 = vector.multi_reduction <add>, %convert_element_type3A_36, %reduce_sum3A [1] : vector<8x10000xf32> to vector<8xf32>
    %broadcast_in_dim3A = vector.shape_cast %reduce_sum3A_51 : vector<8xf32> to vector<8x1xf32>
    %max3A_52 = arith.constant 1.000000e+00 : f32
    %max3A_53 = vector.broadcast %max3A_52 : f32 to vector<8x1xf32>
    %max3A_54 = arith.maximumf %broadcast_in_dim3A, %max3A_53 : vector<8x1xf32>
    %dot_general3A_55 = arith.constant dense<0.000000e+00> : vector<8x128xf32>
    %dot_general3A_56 = tpu.matmul %convert_element_type3A_36, %max3A_28, %dot_general3A_55 {dimension_numbers = #tpu.dot_dimension_numbers<[1], [0], [0], [1], [0, 0, 1, 1], [], []>, transpose_lhs_hint = false} : vector<8x10000xf32>, vector<10000x128xf32>, vector<8x128xf32> -> vector<8x128xf32>
    %div3A = vector.broadcast %max3A_54 : vector<8x1xf32> to vector<8x128xf32>
    %div3A_57 = arith.divf %dot_general3A_56, %div3A : vector<8x128xf32>
    %dot_general3A_58 = arith.constant dense<0.000000e+00> : vector<10000x128xf32>
    %dot_general3A_59 = tpu.matmul %convert_element_type3A_41, %div3A_57, %dot_general3A_58 {dimension_numbers = #tpu.dot_dimension_numbers<[1], [0], [0], [1], [0, 0, 1, 1], [], []>, transpose_lhs_hint = false} : vector<10000x8xf32>, vector<8x128xf32>, vector<10000x128xf32> -> vector<10000x128xf32>
    %mul3A = vector.broadcast %get3A_50 : vector<1x128xf32> to vector<10000x128xf32>
    %mul3A_60 = arith.mulf %mul3A, %dot_general3A_59 : vector<10000x128xf32>
    %sub3A = arith.subf %max3A_28, %mul3A_60 : vector<10000x128xf32>
    %mul3A_61 = arith.mulf %sub3A, %sub3A : vector<10000x128xf32>
    %dot_general3A_62 = arith.constant dense<0.000000e+00> : vector<8x128xf32>
    %dot_general3A_63 = tpu.matmul %convert_element_type3A_36, %mul3A_61, %dot_general3A_62 {dimension_numbers = #tpu.dot_dimension_numbers<[1], [0], [0], [1], [0, 0, 1, 1], [], []>, transpose_lhs_hint = false} : vector<8x10000xf32>, vector<10000x128xf32>, vector<8x128xf32> -> vector<8x128xf32>
    %div3A_64 = vector.broadcast %max3A_54 : vector<8x1xf32> to vector<8x128xf32>
    %div3A_65 = arith.divf %dot_general3A_63, %div3A_64 : vector<8x128xf32>
    %add3A_66 = arith.constant 9.99999974E-6 : f32
    %add3A_67 = vector.broadcast %add3A_66 : f32 to vector<8x128xf32>
    %add3A_68 = arith.addf %div3A_65, %add3A_67 : vector<8x128xf32>
    %rsqrt3A = math.rsqrt %add3A_68 : vector<8x128xf32>
    %mul3A_69 = vector.broadcast %get3A_44 : vector<1x128xf32> to vector<10000x128xf32>
    %mul3A_70 = arith.mulf %mul3A_69, %sub3A : vector<10000x128xf32>
    %dot_general3A_71 = arith.constant dense<0.000000e+00> : vector<10000x128xf32>
    %dot_general3A_72 = tpu.matmul %convert_element_type3A_41, %rsqrt3A, %dot_general3A_71 {dimension_numbers = #tpu.dot_dimension_numbers<[1], [0], [0], [1], [0, 0, 1, 1], [], []>, transpose_lhs_hint = false} : vector<10000x8xf32>, vector<8x128xf32>, vector<10000x128xf32> -> vector<10000x128xf32>
    %mul3A_73 = arith.mulf %mul3A_70, %dot_general3A_72 : vector<10000x128xf32>
    %add3A_74 = vector.broadcast %get3A_47 : vector<1x128xf32> to vector<10000x128xf32>
    %add3A_75 = arith.addf %mul3A_73, %add3A_74 : vector<10000x128xf32>
    %swap3A = arith.constant 0 : index
    %swap3A_76 = arith.constant 0 : index
    %swap3A_77 = vector.load %arg10[%swap3A, %swap3A_76] : memref<10000x128xf32, #tpu.memory_space<vmem>>, vector<10000x128xf32>
    tpu.vector_store %arg10[%swap3A, %swap3A_76], %add3A_75 {strides = array<i32>} : memref<10000x128xf32, #tpu.memory_space<vmem>>, vector<10000x128xf32>,
    return
  }
}

module attributes {stable_mosaic.version = 14 : i64} {
  func.func @body(%arg0: memref<2x10000x128xf32, #tpu.memory_space<vmem>>, %arg1: memref<10000x128xf32, #tpu.memory_space<vmem>>, %arg2: memref<128x128xf32, #tpu.memory_space<vmem>>, %arg3: memref<1x128xf32, #tpu.memory_space<vmem>>, %arg4: memref<128x128xf32, #tpu.memory_space<vmem>>, %arg5: memref<1x10000xi32, #tpu.memory_space<vmem>>, %arg6: memref<128x128xf32, #tpu.memory_space<vmem>>, %arg7: memref<1x128xf32, #tpu.memory_space<vmem>>, %arg8: memref<10x128xf32, #tpu.memory_space<vmem>>, %arg9: memref<1x10xf32, #tpu.memory_space<vmem>>, %arg10: memref<8x10xf32, #tpu.memory_space<vmem>>) attributes {dimension_semantics = [], scalar_prefetch = 0 : i64, scratch_operands = 0 : i64, tpu.core_type = #tpu.core_type<tc>} {
    %get3A = arith.constant 0 : index
    %get3A_0 = arith.constant 0 : index
    %get3A_1 = arith.constant 0 : index
    %get3A_2 = vector.load %arg0[%get3A, %get3A_0, %get3A_1] : memref<2x10000x128xf32, #tpu.memory_space<vmem>>, vector<1x10000x128xf32>
    %get3A_3 = vector.shape_cast %get3A_2 : vector<1x10000x128xf32> to vector<10000x128xf32>
    %get3A_4 = arith.constant 1 : index
    %get3A_5 = arith.constant 0 : index
    %get3A_6 = arith.constant 0 : index
    %get3A_7 = vector.load %arg0[%get3A_4, %get3A_5, %get3A_6] : memref<2x10000x128xf32, #tpu.memory_space<vmem>>, vector<1x10000x128xf32>
    %get3A_8 = vector.shape_cast %get3A_7 : vector<1x10000x128xf32> to vector<10000x128xf32>
    %add3A = arith.addf %get3A_3, %get3A_8 : vector<10000x128xf32>
    %get3A_9 = arith.constant 0 : index
    %get3A_10 = arith.constant 0 : index
    %get3A_11 = vector.load %arg2[%get3A_9, %get3A_10] : memref<128x128xf32, #tpu.memory_space<vmem>>, vector<128x128xf32>
    %dot_general3A = arith.constant dense<0.000000e+00> : vector<10000x128xf32>
    %dot_general3A_12 = tpu.matmul %add3A, %get3A_11, %dot_general3A {dimension_numbers = #tpu.dot_dimension_numbers<[1], [1], [0], [0], [0, 0, 1, 0], [], []>, transpose_lhs_hint = false} : vector<10000x128xf32>, vector<128x128xf32>, vector<10000x128xf32> -> vector<10000x128xf32>
    %get3A_13 = arith.constant 0 : index
    %get3A_14 = arith.constant 0 : index
    %get3A_15 = vector.load %arg3[%get3A_13, %get3A_14] : memref<1x128xf32, #tpu.memory_space<vmem>>, vector<1x128xf32>
    %add3A_16 = vector.broadcast %get3A_15 : vector<1x128xf32> to vector<10000x128xf32>
    %add3A_17 = arith.addf %dot_general3A_12, %add3A_16 : vector<10000x128xf32>
    %get3A_18 = arith.constant 0 : index
    %get3A_19 = arith.constant 0 : index
    %get3A_20 = vector.load %arg1[%get3A_18, %get3A_19] : memref<10000x128xf32, #tpu.memory_space<vmem>>, vector<10000x128xf32>
    %get3A_21 = arith.constant 0 : index
    %get3A_22 = arith.constant 0 : index
    %get3A_23 = vector.load %arg4[%get3A_21, %get3A_22] : memref<128x128xf32, #tpu.memory_space<vmem>>, vector<128x128xf32>
    %dot_general3A_24 = arith.constant dense<0.000000e+00> : vector<10000x128xf32>
    %dot_general3A_25 = tpu.matmul %get3A_20, %get3A_23, %dot_general3A_24 {dimension_numbers = #tpu.dot_dimension_numbers<[1], [1], [0], [0], [0, 0, 1, 0], [], []>, transpose_lhs_hint = false} : vector<10000x128xf32>, vector<128x128xf32>, vector<10000x128xf32> -> vector<10000x128xf32>
    %add3A_26 = arith.addf %add3A_17, %dot_general3A_25 : vector<10000x128xf32>
    %max3A = arith.constant 0.000000e+00 : f32
    %max3A_27 = vector.broadcast %max3A : f32 to vector<10000x128xf32>
    %max3A_28 = arith.maximumf %add3A_26, %max3A_27 : vector<10000x128xf32>
    %iota3A = tpu.iota {dimensions = array<i32: 0>} : vector<8x10000xi32>
    %get3A_29 = arith.constant 0 : index
    %get3A_30 = arith.constant 0 : index
    %get3A_31 = vector.load %arg5[%get3A_29, %get3A_30] : memref<1x10000xi32, #tpu.memory_space<vmem>>, vector<1x10000xi32>
    %eq3A = vector.broadcast %get3A_31 : vector<1x10000xi32> to vector<8x10000xi32>
    %eq3A_32 = arith.cmpi eq, %iota3A, %eq3A : vector<8x10000xi32>
    %convert_element_type3A = arith.extui %eq3A_32 : vector<8x10000xi1> to vector<8x10000xi32>
    %convert_element_type3A_33 = arith.sitofp %convert_element_type3A : vector<8x10000xi32> to vector<8x10000xf32>
    %reduce_sum3A = arith.constant dense<0.000000e+00> : vector<8xf32>
    %reduce_sum3A_34 = vector.multi_reduction <add>, %convert_element_type3A_33, %reduce_sum3A [1] : vector<8x10000xf32> to vector<8xf32>
    %broadcast_in_dim3A = vector.shape_cast %reduce_sum3A_34 : vector<8xf32> to vector<8x1xf32>
    %max3A_35 = arith.constant 1.000000e+00 : f32
    %max3A_36 = vector.broadcast %max3A_35 : f32 to vector<8x1xf32>
    %max3A_37 = arith.maximumf %broadcast_in_dim3A, %max3A_36 : vector<8x1xf32>
    %dot_general3A_38 = arith.constant dense<0.000000e+00> : vector<8x128xf32>
    %dot_general3A_39 = tpu.matmul %convert_element_type3A_33, %max3A_28, %dot_general3A_38 {dimension_numbers = #tpu.dot_dimension_numbers<[1], [0], [0], [1], [0, 0, 1, 1], [], []>, transpose_lhs_hint = false} : vector<8x10000xf32>, vector<10000x128xf32>, vector<8x128xf32> -> vector<8x128xf32>
    %div3A = vector.broadcast %max3A_37 : vector<8x1xf32> to vector<8x128xf32>
    %div3A_40 = arith.divf %dot_general3A_39, %div3A : vector<8x128xf32>
    %get3A_41 = arith.constant 0 : index
    %get3A_42 = arith.constant 0 : index
    %get3A_43 = vector.load %arg6[%get3A_41, %get3A_42] : memref<128x128xf32, #tpu.memory_space<vmem>>, vector<128x128xf32>
    %dot_general3A_44 = arith.constant dense<0.000000e+00> : vector<8x128xf32>
    %dot_general3A_45 = tpu.matmul %div3A_40, %get3A_43, %dot_general3A_44 {dimension_numbers = #tpu.dot_dimension_numbers<[1], [1], [0], [0], [0, 0, 1, 0], [], []>, transpose_lhs_hint = false} : vector<8x128xf32>, vector<128x128xf32>, vector<8x128xf32> -> vector<8x128xf32>
    %get3A_46 = arith.constant 0 : index
    %get3A_47 = arith.constant 0 : index
    %get3A_48 = vector.load %arg7[%get3A_46, %get3A_47] : memref<1x128xf32, #tpu.memory_space<vmem>>, vector<1x128xf32>
    %add3A_49 = vector.broadcast %get3A_48 : vector<1x128xf32> to vector<8x128xf32>
    %add3A_50 = arith.addf %dot_general3A_45, %add3A_49 : vector<8x128xf32>
    %max3A_51 = arith.constant 0.000000e+00 : f32
    %max3A_52 = vector.broadcast %max3A_51 : f32 to vector<8x128xf32>
    %max3A_53 = arith.maximumf %add3A_50, %max3A_52 : vector<8x128xf32>
    %get3A_54 = arith.constant 0 : index
    %get3A_55 = arith.constant 0 : index
    %get3A_56 = vector.load %arg8[%get3A_54, %get3A_55] : memref<10x128xf32, #tpu.memory_space<vmem>>, vector<10x128xf32>
    %dot_general3A_57 = arith.constant dense<0.000000e+00> : vector<8x10xf32>
    %dot_general3A_58 = tpu.matmul %max3A_53, %get3A_56, %dot_general3A_57 {dimension_numbers = #tpu.dot_dimension_numbers<[1], [1], [0], [0], [0, 0, 1, 0], [], []>, transpose_lhs_hint = false} : vector<8x128xf32>, vector<10x128xf32>, vector<8x10xf32> -> vector<8x10xf32>
    %get3A_59 = arith.constant 0 : index
    %get3A_60 = arith.constant 0 : index
    %get3A_61 = vector.load %arg9[%get3A_59, %get3A_60] : memref<1x10xf32, #tpu.memory_space<vmem>>, vector<1x10xf32>
    %add3A_62 = vector.broadcast %get3A_61 : vector<1x10xf32> to vector<8x10xf32>
    %add3A_63 = arith.addf %dot_general3A_58, %add3A_62 : vector<8x10xf32>
    %reduce_max3A = arith.constant dense<0xFF800000> : vector<8xf32>
    %reduce_max3A_64 = vector.multi_reduction <maximumf>, %add3A_63, %reduce_max3A [1] : vector<8x10xf32> to vector<8xf32>
    %broadcast_in_dim3A_65 = vector.shape_cast %reduce_max3A_64 : vector<8xf32> to vector<8x1xf32>
    %sub3A = vector.broadcast %broadcast_in_dim3A_65 : vector<8x1xf32> to vector<8x10xf32>
    %sub3A_66 = arith.subf %add3A_63, %sub3A : vector<8x10xf32>
    %exp3A = math.exp %sub3A_66 : vector<8x10xf32>
    %reduce_sum3A_67 = arith.constant dense<0.000000e+00> : vector<8xf32>
    %reduce_sum3A_68 = vector.multi_reduction <add>, %exp3A, %reduce_sum3A_67 [1] : vector<8x10xf32> to vector<8xf32>
    %broadcast_in_dim3A_69 = vector.shape_cast %reduce_sum3A_68 : vector<8xf32> to vector<8x1xf32>
    %div3A_70 = vector.broadcast %broadcast_in_dim3A_69 : vector<8x1xf32> to vector<8x10xf32>
    %div3A_71 = arith.divf %exp3A, %div3A_70 : vector<8x10xf32>
    %swap3A = arith.constant 0 : index
    %swap3A_72 = arith.constant 0 : index
    %swap3A_73 = vector.load %arg10[%swap3A, %swap3A_72] : memref<8x10xf32, #tpu.memory_space<vmem>>, vector<8x10xf32>
    tpu.vector_store %arg10[%swap3A, %swap3A_72], %div3A_71 {strides = array<i32>} : memref<8x10xf32, #tpu.memory_space<vmem>>, vector<8x10xf32>,
    return
  }
}

</mosaic_0001>

<sc_bundles>
// kernel: kernel.12.cloned.1.call-start
scs
__scs_entry_jumppad:
0x0: {  	(pc) =	sbr.rel $0x88, $3  }
0x1: {  	(tag) =	ssettag $0x0;
	lr =	simm.s32 $0x1  }
0x2: {  	[smem:$0x3F88] =	sst lr;
	_ =	strace $0xD0000000  }
0x3: {  	_ = 	snop  }
0x4: {  	_ = 	snop  }
0x5: {  	_ = 	snop  }
0x6: {  	_ = 	snop  }
0x7: {  	_ = 	snop  }
__scs_overlays_trampoline_lowered:
0x8: {  	[smem:$0x3F97] =	sst s0  }
0x9: {  	[smem:$0x3F98] =	sst s1  }
0xa: {  	[smem:$0x3F99] =	sst s2  }
0xb: {  	[smem:$0x3F9A] =	sst s3  }
0xc: {  	[smem:$0x3F9B] =	sst s4  }
0xd: {  	[smem:$0x3F9C] =	sst s5  }
0xe: {  	[smem:$0x3F9D] =	sst s6  }
0xf: {  	[smem:$0x3F9E] =	sst s7  }
0x10: {  	[smem:$0x3F9F] =	sst s8  }
0x11: {  	[smem:$0x3FA0] =	sst s9;
	s0 =	simm.s32 @!p0 $0x0  }
0x12: {  	s1 =	sld [smem:$0x3F86];
	s0 =	simm.s32 @p0 $0x1  }
0x13: {  	[smem:$0x3FA1] =	sst s0;
	s0 =	simm.s32 @!p1 $0x0  }
0x14: {  	s2 =	sld [smem:$0x3F85];
	s0 =	simm.s32 @p1 $0x1  }
0x15: {  	[smem:$0x3FA2] =	sst s0;
	s0 =	simm.s32 @!p2 $0x0  }
0x16: {  	s3 =	sld [smem:$0x3FDB];
	s0 =	simm.s32 @p2 $0x1  }
0x17: {  	s4 =	simm.s32 $0x1BF5;
	[smem:$0x3FA4] =	sst s0  }
0x18: {  	s0 =	sld [smem:$0x3F87];
	_ =	swait.ge [sflag:s4], $0x0  }
0x19: {  	s7 =	sld [smem:$0x3F88]  }
0x1a: {  	s8 =	sadd.s32 $0xFFFFE003, lr  }
0x1b: {  	s9 =	sadd.s32 $0xFFFFFEF7, lr;
	s5 =	simm.s32 $0xFFFFFFFF;
	p2 =	slt.u32 s8, $0xFFFFF086  }
0x1c: {  	p1 =	slt.u32 s9, $0xF7A;
	s5 =	simm.s32 @!p2 $0x0  }
0x1d: {  	s5 =	simm.s32 @p1 $0x1;
	p0 =	seq.s32 s7, s2  }
0x1e: {  	s7 =	smul.u32 @!p0 $0xF7A, s2;
	p2 =	seq.s32 @!p0 s5, $0x0  }
0x1f: {  	s9 =	smul.u32 $0xF7A, s1;
	s8 =	simm.s32 @!p0 $0x1BF5;
	p2 =	por !p2, p0  }
0x20: {  	[sflag:s8] =	ssyncset.s32 @!p0 $0xFFFFF086;
	s6 =	sadd.s32 @!p0 s3, s7;
	s7 =	simm.s32 @!p0 $0x108  }
0x21: {  	s3 =	sadd.s32 s3, s9;
	s6 =	sadd.s32 @!p0 $0x88, s6;
	s7 =	simm.s32 @p2 $0x1082  }
0x22: {  	[simem:s7], [sflag:s8] =	dma.local @!p0 [hbm:s6], $0xF7A  }
0x23: {  	s9 =	sor.u32 $0xD0000000, s2;
	s6 =	simm.s32 $0x108;
	_ =	swait.ge @!p0 [sflag:s8], $0x0  }
0x24: {  	s3 =	sadd.s32 $0x88, s3;
	s6 =	simm.s32 @!p1 $0x1082;
	[sflag:s4] =	ssyncset.s32 $0xFFFFF086  }
0x25: {  	[simem:s6], [sflag:s4] =	dma.local [hbm:s3], $0xF7A  }
0x26: {  	[smem:$0x3F88] =	sst s1;
	(tag) =	ssettag s2;
	_ =	strace s9  }
0x27: {  	s1 =	sld [smem:$0x3F98]  }
0x28: {  	s2 =	sld [smem:$0x3F99]  }
0x29: {  	s4 =	sld [smem:$0x3F9B]  }
0x2a: {  	p0 =	seq.s32 s5, $0x0;
	s5 =	sld [smem:$0x3F9C]  }
0x2b: {  	s6 =	sld [smem:$0x3F9D]  }
0x2c: {  	s7 =	sld [smem:$0x3F9E]  }
0x2d: {  	s3 =	simm.s32 $0x108;
	s8 =	sld [smem:$0x3F9F]  }
0x2e: {  	s3 =	simm.s32 @!p0 $0x1082;
	s9 =	sld [smem:$0x3FA0]  }
0x2f: {  	lr =	sadd.s32 s0, s3;
	s0 =	sld [smem:$0x3F97]  }
0x30: {  	s3 =	sld [smem:$0x3F9A]  }
0x31: {  	[smem:$0x3FA3] =	sst s10  }
0x32: {  	s10 =	sld [smem:$0x3FA1];
	_ =	sdelay $0x3  }
0x33: {  	p0 =	seq.s32 s10, $0x1;
	s10 =	sld [smem:$0x3FA3];
	_ =	sdelay $0x3  }
0x34: {  	[smem:$0x3FA3] =	sst s10  }
0x35: {  	s10 =	sld [smem:$0x3FA2];
	_ =	sdelay $0x3  }
0x36: {  	p1 =	seq.s32 s10, $0x1;
	s10 =	sld [smem:$0x3FA3];
	_ =	sdelay $0x3  }
0x37: {  	[smem:$0x3FA3] =	sst s10  }
0x38: {  	s10 =	sld [smem:$0x3FA4]  }
0x39: {  	_ = 	snop;
	(pc) =	sbr.ind lr, $3  }
0x3a: {  	_ = 	snop  }
0x3b: {  	_ = 	snop  }
0x3c: {  	p2 =	seq.s32 s10, $0x1;
	s10 =	sld [smem:$0x3FA3]  }
0x3d: {  	_ =	shalt  }
0x3e: {  	_ =	shalt  }
0x3f: {  	_ =	shalt  }
0x40: {  	_ =	shalt  }
0x41: {  	_ =	shalt  }
0x42: {  	_ =	shalt  }
0x43: {  	_ =	shalt  }
0x44: {  	_ =	shalt  }
0x45: {  	_ =	shalt  }
0x46: {  	_ =	shalt  }
0x47: {  	_ =	shalt  }
0x48: {  	_ =	shalt  }
0x49: {  	_ =	shalt  }
0x4a: {  	_ =	shalt  }
0x4b: {  	_ =	shalt  }
0x4c: {  	_ =	shalt  }
0x4d: {  	_ =	shalt  }
0x4e: {  	_ =	shalt  }
0x4f: {  	_ =	shalt  }
0x50: {  	_ =	shalt  }
0x51: {  	_ =	shalt  }
0x52: {  	_ =	shalt  }
0x53: {  	_ =	shalt  }
0x54: {  	_ =	shalt  }
0x55: {  	_ =	shalt  }
0x56: {  	_ =	shalt  }
0x57: {  	_ =	shalt  }
0x58: {  	_ =	shalt  }
0x59: {  	_ =	shalt  }
0x5a: {  	_ =	shalt  }
0x5b: {  	_ =	shalt  }
0x5c: {  	_ =	shalt  }
0x5d: {  	_ =	shalt  }
0x5e: {  	_ =	shalt  }
0x5f: {  	_ =	shalt  }
0x60: {  	_ =	shalt  }
0x61: {  	_ =	shalt  }
0x62: {  	_ =	shalt  }
0x63: {  	_ =	shalt  }
0x64: {  	_ =	shalt  }
0x65: {  	_ =	shalt  }
0x66: {  	_ =	shalt  }
0x67: {  	_ =	shalt  }
0x68: {  	_ =	shalt  }
0x69: {  	_ =	shalt  }
0x6a: {  	_ =	shalt  }
0x6b: {  	_ =	shalt  }
0x6c: {  	_ =	shalt  }
0x6d: {  	_ =	shalt  }
0x6e: {  	_ =	shalt  }
0x6f: {  	_ =	shalt  }
0x70: {  	_ =	shalt  }
0x71: {  	_ =	shalt  }
0x72: {  	_ =	shalt  }
0x73: {  	_ =	shalt  }
0x74: {  	_ =	shalt  }
0x75: {  	_ =	shalt  }
0x76: {  	_ =	shalt  }
0x77: {  	_ =	shalt  }
0x78: {  	_ =	shalt  }
0x79: {  	_ =	shalt  }
0x7a: {  	_ =	shalt  }
0x7b: {  	_ =	shalt  }
0x7c: {  	_ =	shalt  }
0x7d: {  	_ =	shalt  }
0x7e: {  	_ =	shalt  }
0x7f: {  	_ =	shalt  }
0x80: {  	_ =	shalt  }
0x81: {  	_ =	shalt  }
0x82: {  	_ =	shalt  }
0x83: {  	_ =	shalt  }
0x84: {  	_ =	shalt  }
0x85: {  	_ =	shalt  }
0x86: {  	_ =	shalt  }
0x87: {  	_ =	shalt  }
.Lfunc_end0:
.L_simem_size_0:
called_computation.1_lowered:
.L_overlay_start_0:
0x88: {  	s2 =	sld [smem:$0x3FD9]  }
0x89: {  	s3 =	sld [smem:$0x3FFE];
	_ =	sdelay $0x1  }
0x8a: {  	s1 =	srdreg.scid  }
0x8b: {  	s0 =	sand.u32 $0x1, s1  }
0x8c: {  	s16 =	sshll.u32 s0, $0xA;
	s2 =	sadd.s32 s3, s2  }
0x8d: {  	s2 =	sadd.s32 s2, s16  }
0x8e: {  	[smem:$0x3FAF] =	sst s2  }
0x8f: {  	_ = 	snop  }
0x90: {  	(tm) =	ssettm $0x1  }
0x91: {  	s17 =	sld [smem:$0x3FFB];
	_ =	sdelay $0x3  }
0x92: {  	_ =	strace s17  }
0x93: {  	s2 =	sld [smem:$0x3FFC];
	_ =	sdelay $0x3  }
0x94: {  	_ =	strace s2  }
0x95: {  	s2 =	sld [smem:$0x3FFD];
	_ =	sdelay $0x3  }
0x96: {  	_ =	strace s2  }
0x97: {  	_ =	strace $0x8FFFFFFF  }
0x98: {  	s18 =	sld [smem:$0x3FDB];
	_ =	sdelay $0x1  }
0x99: {  	s19 =	simm.s32 $_scs_section_size  }
0x9a: {  	s4 =	simm.s32 $_size__tile_overlayer_lowered;
	s5 =	simm.s32 $_tile_overlayer_lowered  }
0x9b: {  	s22 =	simm.s32 $0x1BFF;
	s21 =	sshll.u32 s5, $0x1;
	s2 =	sadd.s32 s19, s18  }
0x9c: {  	s6 =	simm.s32 $0x0;
	s20 =	sshll.u32 s4, $0x1;
	s4 =	sadd.s32 s21, s2  }
0x9d: {  	[timem:s6], [sflag:s22] =	dma.local [hbm:s4], s20  }
0x9e: {  	_ =	swait.ge [sflag:s22], s20  }
0x9f: {  	s3 =	ssub.s32 $0x0, s20;
	[sflag:s22] =	ssyncset.done $0x0  }
0xa0: {  	[sflag:s22] =	ssyncadd.s32 s3;
	_ =	sdelay $0x1  }
0xa1: {  	s23 =	simm.s32 $0x1B8B  }
0xa2: {  	_ =	swait.ge [sflag:s23], $0x1  }
0xa3: {  	[sflag:s23] =	ssyncset.done $0x0  }
0xa4: {  	s25 =	simm.s32 $0x1B8E;
	s24 =	sld [smem:$0x3FFE];
	[sflag:s23] =	ssyncadd.s32 $0xFFFFFFFF  }
0xa5: {  	s26 =	simm.s32 $execute0_lowered;
	[smem:$0x3FD2] =	sst s25  }
0xa6: {  	s4 =	sshll.u32 s26, $0x1;
	_ =	strace $0x80000049;
	[dreg:$0x1] =	wrdreg $0xFFFFFFFF  }
0xa7: {  	s28 =	simm.s32 $_size_execute0_lowered;
	s2 =	sadd.s32 s2, s4;
	[dreg:$0x0] =	wrdreg $0x0  }
0xa8: {  	s4 =	sshll.u32 s28, $0x1;
	[dreg:$0x2] =	wrdreg s2  }
0xa9: {  	[dreg:$0x3] =	wrdreg s4  }
0xaa: {  	[dreg:$0x4] =	wrdreg $0xC0  }
0xab: {  	_ =	task [dreg:s6], $0x5FFFF  }
0xac: {  	[dreg:$0x1] =	wrdreg $0xFFFFFFFF  }
0xad: {  	[dreg:$0x0] =	wrdreg $0x60  }
0xae: {  	[dreg:$0x2] =	wrdreg s24  }
0xaf: {  	[dreg:$0x3] =	wrdreg $0xB0000  }
0xb0: {  	[dreg:$0x4] =	wrdreg $0x9  }
0xb1: {  	_ =	task.clear_ibuf [dreg:s6], $0x5FFFF;
	_ =	strace $0x90000049  }
0xb2: {  	s29 =	simm.s32 $0x9;
	_ =	strace $0x8000004B  }
0xb3: {  	_ =	swait.ge [sflag:s29], $0x1  }
0xb4: {  	[sflag:s29] =	ssyncadd.s32 $0xFFFFFFFF  }
0xb5: {  	_ =	strace $0x9000004B  }
0xb6: {  	_ =	sfence  }
0xb7: {  	s30 =	sld [smem:$0x0];
	_ =	sdelay $0x2  }
0xb8: {  	s31 =	sshll.u32 s1, $0xD;
	s1 =	sshrl.u32 s1, $0x2  }
0xb9: {  	s3 =	sand.u32 $0x4000, s31;
	s1 =	sadd.s32 s1, s30  }
0xba: {  	s0 =	sor.u32 s3, s0;
	s1 =	sshll.u32 s1, $0x11  }
0xbb: {  	s0 =	sor.u32 s1, s0  }
0xbc: {  	s0 =	sadd.s32 $0x8F2B, s0  }
0xbd: {  	[sflag:s0] =	ssyncadd.remote.s32 $0x1  }
0xbe: {  	_ =	sfence.sel $0xFFFF  }
0xbf: {  	[dreg:$0x0] =	wrdreg $0xFFFFFFFF;
	(pc) =	sbr.abs _section_cstart, $3  }
0xc0: {  	[dreg:$0x1] =	wrdreg $0xFFFFFFFF  }
0xc1: {  	_ =	task.clear_ibuf [dreg:s6], $0x2FFFF;
	_ =	strace $0x9FFFFFFF  }
0xc2: {  	(tm) =	ssettm $0x7FFFFFFF  }
0xc3: {  	_ =	shalt  }
tec
execute0_lowered:
.L_overlay_start_1:
0x0: {  	(tag) =	ssettag $0x1  }
0x1: {  	s6 =	rddreg [dreg:$0x0]  }
0x2: {  	s0 =	srdreg.scid;
	s2 =	rddreg [dreg:$0x1]  }
0x3: {  	s3 =	simm.s32 $0x0;
	s18 =	simm.s32 $0x2;
	s19 =	simm.s32 $0x80  }
0x4: {  	s20 =	simm.s32 $0x1;
	s13 =	sand.u32 $0x1, s0;
	s0 =	stileid.u32  }
0x5: {  	s24 =	simm.s32 $0x0;
	[smem:$0x7FF] =	sst s3;
	s7 =	smul.u32 $0x50000, s0  }
0x6: {  	s14 =	sadd.s32 $0x48000, s6;
	s21 =	sadd.s32 $0x12C000, s2;
	s15 =	smul.u32 $0x138800, s13  }
0x7: {  	s1 =	sshll.u32 s13, $0x4;
	s8 =	ssub.s32 $0x2, s13;
	s17 =	smul.u32 $0x14000, s0  }
0x8: {  	p0 =	seq.s32 s13, $0x0;
	s13 =	simm.s32 $0x32;
	s4 =	sor.u32 s0, s1  }
0x9: {  	s1 =	rddreg [dreg:$0x2];
	_ =	strace $0x8000004A;
	s9 =	sshrl.u32 s8, $0x1  }
0xa: {  	s13 =	simm.s32 @!p0 $0x6B;
	p0 =	seq.s32 s0, $0xF;
	s5 =	smul.u32 $0x700, s4  }
0xb: {  	s4 =	sadd.s32 $0x20600, s6;
	s7 =	sshrl.u32 s7, $0x2;
	s16 =	ssub.s32 s8, s9  }
0xc: {  	s17 =	sadd.s32 s17, s15;
	s15 =	sshrl.u32 s15, $0x3;
	s21 =	sshrl.u32 @p0 s21, $0x3  }
0xd: {  	s22 =	sshll.u32 @!p0 s0, $0x6;
	s17 =	sshrl.u32 s17, $0x3;
	s15 =	sadd.s32 s14, s15  }
0xe: {  	s16 =	smax.u32 s16, $0x1;
	s22 =	sor.u32 @!p0 $0x1C02, s22;
	s12 =	sadd.s32 s5, s6  }
0xf: {  	s5 =	sadd.s32 $0x47800, s6;
	s6 =	sadd.s32 s7, s2;
	s14 =	sadd.s32 s14, s17  }
0x10: {  	s15 =	sadd.s32 $0x25800, s15;
	s17 =	simm.s32 $0x7000;
	s7 =	sadd.s32 $0x4000, s6  }
0x11: {  	s8 =	sadd.s32 $0x8000, s6;
	s9 =	sadd.s32 $0xC000, s6;
	s10 =	sadd.s32 $0x10000, s6  }
0x12: {  	s11 =	sadd.s32 $0x12600, s12;
	s12 =	sadd.s32 $0x4600, s12;
	s23 =	sshrl.u32 @!p0 s6, $0x3  }
.LBB2_1:
0x13: {  	[tilespmem:s17], [sflag:$0x2] =	stream.linear.gather [hbm4b:s5+s3], $0x4000, $0x38;
	[tilespmem:$0x1F000] =	vst v63  }
0x14: {  	_ =	swait.ge [sflag:s18], $0x4000  }
0x15: {  	[sflag:s18] =	ssyncset.done $0x0  }
0x16: {  	[sflag:s18] =	ssyncadd.s32 $0xFFFFC000  }
0x17: {  	[spmem:s6] =	stream.linear.scatter [tilespmem:s17], [sflag:$0x2], $0x4000, $0x38;
	[tilespmem:$0x1F000] =	vst v63  }
0x18: {  	_ =	swait.ge [sflag:s18], $0x4000  }
0x19: {  	[sflag:s18] =	ssyncset.done $0x0  }
0x1a: {  	[sflag:s18] =	ssyncadd.s32 $0xFFFFC000  }
0x1b: {  	[spmem:s7] =	stream.linear.scatter [tilespmem:s17], [sflag:$0x2], $0x4000, $0x38;
	[tilespmem:$0x1F000] =	vst v63  }
0x1c: {  	_ =	swait.ge [sflag:s18], $0x4000  }
0x1d: {  	[sflag:s18] =	ssyncset.done $0x0  }
0x1e: {  	[sflag:s18] =	ssyncadd.s32 $0xFFFFC000  }
0x1f: {  	[spmem:s8] =	stream.linear.scatter [tilespmem:s17], [sflag:$0x2], $0x4000, $0x38;
	[tilespmem:$0x1F000] =	vst v63  }
0x20: {  	_ =	swait.ge [sflag:s18], $0x4000  }
0x21: {  	[sflag:s18] =	ssyncset.done $0x0  }
0x22: {  	[sflag:s18] =	ssyncadd.s32 $0xFFFFC000  }
0x23: {  	[spmem:s9] =	stream.linear.scatter [tilespmem:s17], [sflag:$0x2], $0x4000, $0x38;
	[tilespmem:$0x1F000] =	vst v63  }
0x24: {  	_ =	swait.ge [sflag:s18], $0x4000  }
0x25: {  	[sflag:s18] =	ssyncset.done $0x0  }
0x26: {  	[sflag:s18] =	ssyncadd.s32 $0xFFFFC000  }
0x27: {  	[spmem:s10] =	stream.linear.scatter [tilespmem:s17], [sflag:$0x2], $0x4000, $0x38;
	[tilespmem:$0x1F000] =	vst v63  }
0x28: {  	_ =	swait.ge [sflag:s18], $0x4000  }
0x29: {  	[sflag:s18] =	ssyncset.done $0x0  }
0x2a: {  	[sflag:s18] =	ssyncadd.s32 $0xFFFFC000  }
0x2b: {  	[bflag:$0x0] =	sbarrier.arrive $0xFFFF  }
0x2c: {  	[tilespmem:s3], [sflag:$0x2] =	stream.linear.gather [hbm4b:s11+s3], $0x3580, $0x38;
	[tilespmem:$0x1F000] =	vst v63  }
0x2d: {  	_ =	swait.ge [sflag:s18], $0x3580  }
0x2e: {  	[sflag:s18] =	ssyncset.done $0x0  }
0x2f: {  	s25 =	simm.s32 $0x3800;
	[sflag:s18] =	ssyncadd.s32 $0xFFFFCA80  }
0x30: {  	[tilespmem:s25], [sflag:$0x2] =	stream.linear.gather [hbm4b:s12+s3], $0x3580, $0x38;
	[tilespmem:$0x1F000] =	vst v63  }
0x31: {  	_ =	swait.ge [sflag:s18], $0x3580  }
0x32: {  	[sflag:s18] =	ssyncset.done $0x0  }
0x33: {  	[sflag:s18] =	ssyncadd.s32 $0xFFFFCA80  }
0x34: {  	[tilespmem:s17], [sflag:$0x1] =	stream.indirect.gather [hbm4b:s4+s19], $0x80, s3, s19, $0xb8;
	[tilespmem:$0x1F000] =	vst v63  }
0x35: {  	p1 =	sne.s32 s13, $0x1;
	_ =	swait.ge [sflag:s20], $0x4000  }
.Ltmp0:
0x36: {  	[sflag:s20] =	ssyncset.done $0x0;
	(pc) =	sbr.rel @!p1 .LBB2_3-.Ltmp0, $4  }
0x37: {  	[sflag:s20] =	ssyncadd.s32 $0xFFFFC000  }
0x38: {  	[spmem:s2] =	stream.indirect.scatter.add.f32 [tilespmem:s17], [sflag:$0x2], $0x80, s25, s19, $0xb8;
	[tilespmem:$0x1F000] =	vst v63  }
0x39: {  	_ =	swait.ge [sflag:s18], $0x4000  }
0x3a: {  	s26 =	sadd.s32 $0xFFFFFFFF, s13;
	s28 =	simm.s32 $0x0;
	[sflag:s18] =	ssyncset.done $0x0  }
.LBB2_2:
0x3b: {  	[sflag:s18] =	ssyncadd.s32 $0xFFFFC000;
	s28 =	sadd.s32 $0x80, s28;
	s25 =	sadd.s32 $0x80, s25  }
0x3c: {  	[tilespmem:s17], [sflag:$0x1] =	stream.indirect.gather [hbm4b:s4+s19], $0x80, s28, s19, $0xb8;
	[tilespmem:$0x1F000] =	vst v63  }
0x3d: {  	p1 =	sne.s32 s26, $0x1;
	s26 =	sadd.s32 $0xFFFFFFFF, s26;
	_ =	swait.ge [sflag:s20], $0x4000  }
.Ltmp1:
0x3e: {  	[sflag:s20] =	ssyncset.done $0x0;
	(pc) =	sbr.rel @p1 .LBB2_2-.Ltmp1, $4  }
0x3f: {  	[sflag:s20] =	ssyncadd.s32 $0xFFFFC000  }
0x40: {  	[spmem:s2] =	stream.indirect.scatter.add.f32 [tilespmem:s17], [sflag:$0x2], $0x80, s25, s19, $0xb8;
	[tilespmem:$0x1F000] =	vst v63  }
0x41: {  	_ =	swait.ge [sflag:s18], $0x4000  }
0x42: {  	[sflag:s18] =	ssyncset.done $0x0  }
.LBB2_3:
0x43: {  	[sflag:s18] =	ssyncadd.s32 $0xFFFFC000  }
0x44: {  	s25 =	simm.s32 @p0 $0x1FC2;
	[bflag:$0x0] =	sbarrier.arrive $0xFFFF  }
0x45: {  	[hbm:s15], [sflag:s25] =	dma.local @p0 [spmem:s21], $0x1900  }
0x46: {  	s25 =	simm.s32 @p0 $0x2  }
0x47: {  	s24 =	sadd.s32 $0x1, s24;
	_ =	swait.ge @p0 [sflag:s25], $0x1900  }
0x48: {  	p1 =	sne.s32 s24, s16;
	[sflag:s25] =	ssyncset.done @p0 $0x0  }
.Ltmp2:
0x49: {  	[sflag:s25] =	ssyncadd.s32 @p0 $0xFFFFE700;
	s25 =	simm.s32 @!p0 $0x2;
	(pc) =	sbr.rel @p1 .LBB2_1-.Ltmp2, $4  }
0x4a: {  	[hbm:s14], [sflag:s22] =	dma.local @!p0 [spmem:s23], $0x2800  }
0x4b: {  	_ =	swait.ge @!p0 [sflag:s25], $0x2800  }
0x4c: {  	[sflag:s25] =	ssyncset.done @!p0 $0x0  }
0x4d: {  	[sflag:s25] =	ssyncadd.s32 @!p0 $0xFFFFD800  }
0x4e: {  	_ =	sfence.sel $0x180000  }
0x4f: {  	[bflag:$0x0] =	sbarrier.arrive $0xFFFF  }
0x50: {  	p0 =	sne.s32 s0, $0x0;
	_ =	strace $0x9000004A  }
0x51: {  	s0 =	sadd.s32 @!p0 $0x100000, s1;
	[bflag:$0x2] =	sbarrier.arrive $0xFFFF  }
0x52: {  	[sflag:s0] =	ssyncadd.tile.s32 @!p0 $0x1;
	_ =	shalt  }
.Lfunc_end2:
_tile_overlayer_lowered:
.L_overlay_start_2:
0x53: {  	(tag) =	ssettag $0x2  }
0x54: {  	s0 =	rddreg [dreg:$0x0];
	s2 =	stileid.u32  }
0x55: {  	s1 =	rddreg [dreg:$0x1];
	p0 =	sne.s32 s2, $0x0  }
0x56: {  	s3 =	rddreg [dreg:$0x2];
	[bflag:$0x3] =	sbarrier.arrive $0xFFFF;
	s2 =	simm.s32 @!p0 $0x1C02  }
0x57: {  	[timem:s3], [sflag:s2] =	dma.local @!p0 [hbm:s0], s1  }
0x58: {  	s0 =	simm.s32 @!p0 $0x2  }
0x59: {  	_ =	swait.ge @!p0 [sflag:s0], s1  }
0x5a: {  	s1 =	ssub.s32 @!p0 $0x0, s1;
	[sflag:s0] =	ssyncset.done @!p0 $0x0  }
0x5b: {  	[sflag:s0] =	ssyncadd.s32 @!p0 s1  }
0x5c: {  	[bflag:$0x3] =	sbarrier.arrive $0xFFFF  }
0x5d: {  	_ =	shalt  }

// kernel: kernel.15.cloned.1.call-start
scs
__scs_entry_jumppad:
0x0: {  	(pc) =	sbr.rel $0x88, $3  }
0x1: {  	(tag) =	ssettag $0x0;
	lr =	simm.s32 $0x1  }
0x2: {  	[smem:$0x3F88] =	sst lr;
	_ =	strace $0xD0000000  }
0x3: {  	_ = 	snop  }
0x4: {  	_ = 	snop  }
0x5: {  	_ = 	snop  }
0x6: {  	_ = 	snop  }
0x7: {  	_ = 	snop  }
__scs_overlays_trampoline_lowered:
0x8: {  	[smem:$0x3F97] =	sst s0  }
0x9: {  	[smem:$0x3F98] =	sst s1  }
0xa: {  	[smem:$0x3F99] =	sst s2  }
0xb: {  	[smem:$0x3F9A] =	sst s3  }
0xc: {  	[smem:$0x3F9B] =	sst s4  }
0xd: {  	[smem:$0x3F9C] =	sst s5  }
0xe: {  	[smem:$0x3F9D] =	sst s6  }
0xf: {  	[smem:$0x3F9E] =	sst s7  }
0x10: {  	[smem:$0x3F9F] =	sst s8  }
0x11: {  	[smem:$0x3FA0] =	sst s9;
	s0 =	simm.s32 @!p0 $0x0  }
0x12: {  	s1 =	sld [smem:$0x3F86];
	s0 =	simm.s32 @p0 $0x1  }
0x13: {  	[smem:$0x3FA1] =	sst s0;
	s0 =	simm.s32 @!p1 $0x0  }
0x14: {  	s2 =	sld [smem:$0x3F85];
	s0 =	simm.s32 @p1 $0x1  }
0x15: {  	[smem:$0x3FA2] =	sst s0;
	s0 =	simm.s32 @!p2 $0x0  }
0x16: {  	s3 =	sld [smem:$0x3FDB];
	s0 =	simm.s32 @p2 $0x1  }
0x17: {  	s4 =	simm.s32 $0x1BF5;
	[smem:$0x3FA4] =	sst s0  }
0x18: {  	s0 =	sld [smem:$0x3F87];
	_ =	swait.ge [sflag:s4], $0x0  }
0x19: {  	s7 =	sld [smem:$0x3F88]  }
0x1a: {  	s8 =	sadd.s32 $0xFFFFE003, lr  }
0x1b: {  	s9 =	sadd.s32 $0xFFFFFEF7, lr;
	s5 =	simm.s32 $0xFFFFFFFF;
	p2 =	slt.u32 s8, $0xFFFFF086  }
0x1c: {  	p1 =	slt.u32 s9, $0xF7A;
	s5 =	simm.s32 @!p2 $0x0  }
0x1d: {  	s5 =	simm.s32 @p1 $0x1;
	p0 =	seq.s32 s7, s2  }
0x1e: {  	s7 =	smul.u32 @!p0 $0xF7A, s2;
	p2 =	seq.s32 @!p0 s5, $0x0  }
0x1f: {  	s9 =	smul.u32 $0xF7A, s1;
	s8 =	simm.s32 @!p0 $0x1BF5;
	p2 =	por !p2, p0  }
0x20: {  	[sflag:s8] =	ssyncset.s32 @!p0 $0xFFFFF086;
	s6 =	sadd.s32 @!p0 s3, s7;
	s7 =	simm.s32 @!p0 $0x108  }
0x21: {  	s3 =	sadd.s32 s3, s9;
	s6 =	sadd.s32 @!p0 $0x88, s6;
	s7 =	simm.s32 @p2 $0x1082  }
0x22: {  	[simem:s7], [sflag:s8] =	dma.local @!p0 [hbm:s6], $0xF7A  }
0x23: {  	s9 =	sor.u32 $0xD0000000, s2;
	s6 =	simm.s32 $0x108;
	_ =	swait.ge @!p0 [sflag:s8], $0x0  }
0x24: {  	s3 =	sadd.s32 $0x88, s3;
	s6 =	simm.s32 @!p1 $0x1082;
	[sflag:s4] =	ssyncset.s32 $0xFFFFF086  }
0x25: {  	[simem:s6], [sflag:s4] =	dma.local [hbm:s3], $0xF7A  }
0x26: {  	[smem:$0x3F88] =	sst s1;
	(tag) =	ssettag s2;
	_ =	strace s9  }
0x27: {  	s1 =	sld [smem:$0x3F98]  }
0x28: {  	s2 =	sld [smem:$0x3F99]  }
0x29: {  	s4 =	sld [smem:$0x3F9B]  }
0x2a: {  	p0 =	seq.s32 s5, $0x0;
	s5 =	sld [smem:$0x3F9C]  }
0x2b: {  	s6 =	sld [smem:$0x3F9D]  }
0x2c: {  	s7 =	sld [smem:$0x3F9E]  }
0x2d: {  	s3 =	simm.s32 $0x108;
	s8 =	sld [smem:$0x3F9F]  }
0x2e: {  	s3 =	simm.s32 @!p0 $0x1082;
	s9 =	sld [smem:$0x3FA0]  }
0x2f: {  	lr =	sadd.s32 s0, s3;
	s0 =	sld [smem:$0x3F97]  }
0x30: {  	s3 =	sld [smem:$0x3F9A]  }
0x31: {  	[smem:$0x3FA3] =	sst s10  }
0x32: {  	s10 =	sld [smem:$0x3FA1];
	_ =	sdelay $0x3  }
0x33: {  	p0 =	seq.s32 s10, $0x1;
	s10 =	sld [smem:$0x3FA3];
	_ =	sdelay $0x3  }
0x34: {  	[smem:$0x3FA3] =	sst s10  }
0x35: {  	s10 =	sld [smem:$0x3FA2];
	_ =	sdelay $0x3  }
0x36: {  	p1 =	seq.s32 s10, $0x1;
	s10 =	sld [smem:$0x3FA3];
	_ =	sdelay $0x3  }
0x37: {  	[smem:$0x3FA3] =	sst s10  }
0x38: {  	s10 =	sld [smem:$0x3FA4]  }
0x39: {  	_ = 	snop;
	(pc) =	sbr.ind lr, $3  }
0x3a: {  	_ = 	snop  }
0x3b: {  	_ = 	snop  }
0x3c: {  	p2 =	seq.s32 s10, $0x1;
	s10 =	sld [smem:$0x3FA3]  }
0x3d: {  	_ =	shalt  }
0x3e: {  	_ =	shalt  }
0x3f: {  	_ =	shalt  }
0x40: {  	_ =	shalt  }
0x41: {  	_ =	shalt  }
0x42: {  	_ =	shalt  }
0x43: {  	_ =	shalt  }
0x44: {  	_ =	shalt  }
0x45: {  	_ =	shalt  }
0x46: {  	_ =	shalt  }
0x47: {  	_ =	shalt  }
0x48: {  	_ =	shalt  }
0x49: {  	_ =	shalt  }
0x4a: {  	_ =	shalt  }
0x4b: {  	_ =	shalt  }
0x4c: {  	_ =	shalt  }
0x4d: {  	_ =	shalt  }
0x4e: {  	_ =	shalt  }
0x4f: {  	_ =	shalt  }
0x50: {  	_ =	shalt  }
0x51: {  	_ =	shalt  }
0x52: {  	_ =	shalt  }
0x53: {  	_ =	shalt  }
0x54: {  	_ =	shalt  }
0x55: {  	_ =	shalt  }
0x56: {  	_ =	shalt  }
0x57: {  	_ =	shalt  }
0x58: {  	_ =	shalt  }
0x59: {  	_ =	shalt  }
0x5a: {  	_ =	shalt  }
0x5b: {  	_ =	shalt  }
0x5c: {  	_ =	shalt  }
0x5d: {  	_ =	shalt  }
0x5e: {  	_ =	shalt  }
0x5f: {  	_ =	shalt  }
0x60: {  	_ =	shalt  }
0x61: {  	_ =	shalt  }
0x62: {  	_ =	shalt  }
0x63: {  	_ =	shalt  }
0x64: {  	_ =	shalt  }
0x65: {  	_ =	shalt  }
0x66: {  	_ =	shalt  }
0x67: {  	_ =	shalt  }
0x68: {  	_ =	shalt  }
0x69: {  	_ =	shalt  }
0x6a: {  	_ =	shalt  }
0x6b: {  	_ =	shalt  }
0x6c: {  	_ =	shalt  }
0x6d: {  	_ =	shalt  }
0x6e: {  	_ =	shalt  }
0x6f: {  	_ =	shalt  }
0x70: {  	_ =	shalt  }
0x71: {  	_ =	shalt  }
0x72: {  	_ =	shalt  }
0x73: {  	_ =	shalt  }
0x74: {  	_ =	shalt  }
0x75: {  	_ =	shalt  }
0x76: {  	_ =	shalt  }
0x77: {  	_ =	shalt  }
0x78: {  	_ =	shalt  }
0x79: {  	_ =	shalt  }
0x7a: {  	_ =	shalt  }
0x7b: {  	_ =	shalt  }
0x7c: {  	_ =	shalt  }
0x7d: {  	_ =	shalt  }
0x7e: {  	_ =	shalt  }
0x7f: {  	_ =	shalt  }
0x80: {  	_ =	shalt  }
0x81: {  	_ =	shalt  }
0x82: {  	_ =	shalt  }
0x83: {  	_ =	shalt  }
0x84: {  	_ =	shalt  }
0x85: {  	_ =	shalt  }
0x86: {  	_ =	shalt  }
0x87: {  	_ =	shalt  }
.Lfunc_end0:
.L_simem_size_0:
called_computation.2_lowered:
.L_overlay_start_0:
0x88: {  	s2 =	sld [smem:$0x3FD9]  }
0x89: {  	s3 =	sld [smem:$0x3FFE];
	_ =	sdelay $0x1  }
0x8a: {  	s1 =	srdreg.scid  }
0x8b: {  	s0 =	sand.u32 $0x1, s1  }
0x8c: {  	s16 =	sshll.u32 s0, $0xA;
	s2 =	sadd.s32 s3, s2  }
0x8d: {  	s2 =	sadd.s32 s2, s16  }
0x8e: {  	[smem:$0x3FAF] =	sst s2  }
0x8f: {  	_ = 	snop  }
0x90: {  	(tm) =	ssettm $0x1  }
0x91: {  	s17 =	sld [smem:$0x3FFB];
	_ =	sdelay $0x3  }
0x92: {  	_ =	strace s17  }
0x93: {  	s2 =	sld [smem:$0x3FFC];
	_ =	sdelay $0x3  }
0x94: {  	_ =	strace s2  }
0x95: {  	s2 =	sld [smem:$0x3FFD];
	_ =	sdelay $0x3  }
0x96: {  	_ =	strace s2  }
0x97: {  	_ =	strace $0x8FFFFFFF  }
0x98: {  	s18 =	sld [smem:$0x3FDB];
	_ =	sdelay $0x1  }
0x99: {  	s19 =	simm.s32 $_scs_section_size  }
0x9a: {  	s4 =	simm.s32 $_size__tile_overlayer_lowered;
	s5 =	simm.s32 $_tile_overlayer_lowered  }
0x9b: {  	s22 =	simm.s32 $0x1BFF;
	s21 =	sshll.u32 s5, $0x1;
	s2 =	sadd.s32 s19, s18  }
0x9c: {  	s6 =	simm.s32 $0x0;
	s20 =	sshll.u32 s4, $0x1;
	s4 =	sadd.s32 s21, s2  }
0x9d: {  	[timem:s6], [sflag:s22] =	dma.local [hbm:s4], s20  }
0x9e: {  	_ =	swait.ge [sflag:s22], s20  }
0x9f: {  	s3 =	ssub.s32 $0x0, s20;
	[sflag:s22] =	ssyncset.done $0x0  }
0xa0: {  	[sflag:s22] =	ssyncadd.s32 s3;
	_ =	sdelay $0x1  }
0xa1: {  	s23 =	simm.s32 $0x1B8B  }
0xa2: {  	_ =	swait.ge [sflag:s23], $0x1  }
0xa3: {  	[sflag:s23] =	ssyncset.done $0x0  }
0xa4: {  	s25 =	simm.s32 $0x1B8E;
	s24 =	sld [smem:$0x3FFE];
	[sflag:s23] =	ssyncadd.s32 $0xFFFFFFFF  }
0xa5: {  	s26 =	simm.s32 $execute0_lowered;
	[smem:$0x3FD2] =	sst s25  }
0xa6: {  	s4 =	sshll.u32 s26, $0x1;
	_ =	strace $0x8000004C;
	[dreg:$0x1] =	wrdreg $0xFFFFFFFF  }
0xa7: {  	s28 =	simm.s32 $_size_execute0_lowered;
	s2 =	sadd.s32 s2, s4;
	[dreg:$0x0] =	wrdreg $0x0  }
0xa8: {  	s4 =	sshll.u32 s28, $0x1;
	[dreg:$0x2] =	wrdreg s2  }
0xa9: {  	[dreg:$0x3] =	wrdreg s4  }
0xaa: {  	[dreg:$0x4] =	wrdreg $0xC0  }
0xab: {  	_ =	task [dreg:s6], $0x5FFFF  }
0xac: {  	[dreg:$0x1] =	wrdreg $0xFFFFFFFF  }
0xad: {  	[dreg:$0x0] =	wrdreg $0x60  }
0xae: {  	[dreg:$0x2] =	wrdreg s24  }
0xaf: {  	[dreg:$0x3] =	wrdreg $0xB0000  }
0xb0: {  	[dreg:$0x4] =	wrdreg $0x9  }
0xb1: {  	_ =	task.clear_ibuf [dreg:s6], $0x5FFFF;
	_ =	strace $0x9000004C  }
0xb2: {  	s29 =	simm.s32 $0x9;
	_ =	strace $0x8000004E  }
0xb3: {  	_ =	swait.ge [sflag:s29], $0x1  }
0xb4: {  	[sflag:s29] =	ssyncadd.s32 $0xFFFFFFFF  }
0xb5: {  	_ =	strace $0x9000004E  }
0xb6: {  	_ =	sfence  }
0xb7: {  	s30 =	sld [smem:$0x0];
	_ =	sdelay $0x2  }
0xb8: {  	s31 =	sshll.u32 s1, $0xD;
	s1 =	sshrl.u32 s1, $0x2  }
0xb9: {  	s3 =	sand.u32 $0x4000, s31;
	s1 =	sadd.s32 s1, s30  }
0xba: {  	s0 =	sor.u32 s3, s0;
	s1 =	sshll.u32 s1, $0x11  }
0xbb: {  	s0 =	sor.u32 s1, s0  }
0xbc: {  	s0 =	sadd.s32 $0x8F2B, s0  }
0xbd: {  	[sflag:s0] =	ssyncadd.remote.s32 $0x1  }
0xbe: {  	_ =	sfence.sel $0xFFFF  }
0xbf: {  	[dreg:$0x0] =	wrdreg $0xFFFFFFFF;
	(pc) =	sbr.abs _section_cstart, $3  }
0xc0: {  	[dreg:$0x1] =	wrdreg $0xFFFFFFFF  }
0xc1: {  	_ =	task.clear_ibuf [dreg:s6], $0x2FFFF;
	_ =	strace $0x9FFFFFFF  }
0xc2: {  	(tm) =	ssettm $0x7FFFFFFF  }
0xc3: {  	_ =	shalt  }
tec
execute0_lowered:
.L_overlay_start_1:
0x0: {  	(tag) =	ssettag $0x1  }
0x1: {  	s6 =	rddreg [dreg:$0x0]  }
0x2: {  	s0 =	srdreg.scid;
	s2 =	rddreg [dreg:$0x1]  }
0x3: {  	s3 =	simm.s32 $0x0;
	s18 =	simm.s32 $0x2;
	s19 =	simm.s32 $0x80  }
0x4: {  	s20 =	simm.s32 $0x1;
	s13 =	sand.u32 $0x1, s0;
	s0 =	stileid.u32  }
0x5: {  	s24 =	simm.s32 $0x0;
	[smem:$0x7FF] =	sst s3;
	s7 =	smul.u32 $0x50000, s0  }
0x6: {  	s14 =	sadd.s32 $0x48000, s6;
	s21 =	sadd.s32 $0x12C000, s2;
	s15 =	smul.u32 $0x138800, s13  }
0x7: {  	s1 =	sshll.u32 s13, $0x4;
	s8 =	ssub.s32 $0x2, s13;
	s17 =	smul.u32 $0x14000, s0  }
0x8: {  	p0 =	seq.s32 s13, $0x0;
	s13 =	simm.s32 $0x32;
	s4 =	sor.u32 s0, s1  }
0x9: {  	s1 =	rddreg [dreg:$0x2];
	_ =	strace $0x8000004D;
	s9 =	sshrl.u32 s8, $0x1  }
0xa: {  	s13 =	simm.s32 @!p0 $0x6B;
	p0 =	seq.s32 s0, $0xF;
	s5 =	smul.u32 $0x700, s4  }
0xb: {  	s4 =	sadd.s32 $0x20600, s6;
	s7 =	sshrl.u32 s7, $0x2;
	s16 =	ssub.s32 s8, s9  }
0xc: {  	s17 =	sadd.s32 s17, s15;
	s15 =	sshrl.u32 s15, $0x3;
	s21 =	sshrl.u32 @p0 s21, $0x3  }
0xd: {  	s22 =	sshll.u32 @!p0 s0, $0x6;
	s17 =	sshrl.u32 s17, $0x3;
	s15 =	sadd.s32 s14, s15  }
0xe: {  	s16 =	smax.u32 s16, $0x1;
	s22 =	sor.u32 @!p0 $0x1C02, s22;
	s12 =	sadd.s32 s5, s6  }
0xf: {  	s5 =	sadd.s32 $0x47800, s6;
	s6 =	sadd.s32 s7, s2;
	s14 =	sadd.s32 s14, s17  }
0x10: {  	s15 =	sadd.s32 $0x25800, s15;
	s17 =	simm.s32 $0x7000;
	s7 =	sadd.s32 $0x4000, s6  }
0x11: {  	s8 =	sadd.s32 $0x8000, s6;
	s9 =	sadd.s32 $0xC000, s6;
	s10 =	sadd.s32 $0x10000, s6  }
0x12: {  	s11 =	sadd.s32 $0x12600, s12;
	s12 =	sadd.s32 $0x4600, s12;
	s23 =	sshrl.u32 @!p0 s6, $0x3  }
.LBB2_1:
0x13: {  	[tilespmem:s17], [sflag:$0x2] =	stream.linear.gather [hbm4b:s5+s3], $0x4000, $0x38;
	[tilespmem:$0x1F000] =	vst v63  }
0x14: {  	_ =	swait.ge [sflag:s18], $0x4000  }
0x15: {  	[sflag:s18] =	ssyncset.done $0x0  }
0x16: {  	[sflag:s18] =	ssyncadd.s32 $0xFFFFC000  }
0x17: {  	[spmem:s6] =	stream.linear.scatter [tilespmem:s17], [sflag:$0x2], $0x4000, $0x38;
	[tilespmem:$0x1F000] =	vst v63  }
0x18: {  	_ =	swait.ge [sflag:s18], $0x4000  }
0x19: {  	[sflag:s18] =	ssyncset.done $0x0  }
0x1a: {  	[sflag:s18] =	ssyncadd.s32 $0xFFFFC000  }
0x1b: {  	[spmem:s7] =	stream.linear.scatter [tilespmem:s17], [sflag:$0x2], $0x4000, $0x38;
	[tilespmem:$0x1F000] =	vst v63  }
0x1c: {  	_ =	swait.ge [sflag:s18], $0x4000  }
0x1d: {  	[sflag:s18] =	ssyncset.done $0x0  }
0x1e: {  	[sflag:s18] =	ssyncadd.s32 $0xFFFFC000  }
0x1f: {  	[spmem:s8] =	stream.linear.scatter [tilespmem:s17], [sflag:$0x2], $0x4000, $0x38;
	[tilespmem:$0x1F000] =	vst v63  }
0x20: {  	_ =	swait.ge [sflag:s18], $0x4000  }
0x21: {  	[sflag:s18] =	ssyncset.done $0x0  }
0x22: {  	[sflag:s18] =	ssyncadd.s32 $0xFFFFC000  }
0x23: {  	[spmem:s9] =	stream.linear.scatter [tilespmem:s17], [sflag:$0x2], $0x4000, $0x38;
	[tilespmem:$0x1F000] =	vst v63  }
0x24: {  	_ =	swait.ge [sflag:s18], $0x4000  }
0x25: {  	[sflag:s18] =	ssyncset.done $0x0  }
0x26: {  	[sflag:s18] =	ssyncadd.s32 $0xFFFFC000  }
0x27: {  	[spmem:s10] =	stream.linear.scatter [tilespmem:s17], [sflag:$0x2], $0x4000, $0x38;
	[tilespmem:$0x1F000] =	vst v63  }
0x28: {  	_ =	swait.ge [sflag:s18], $0x4000  }
0x29: {  	[sflag:s18] =	ssyncset.done $0x0  }
0x2a: {  	[sflag:s18] =	ssyncadd.s32 $0xFFFFC000  }
0x2b: {  	[bflag:$0x0] =	sbarrier.arrive $0xFFFF  }
0x2c: {  	[tilespmem:s3], [sflag:$0x2] =	stream.linear.gather [hbm4b:s11+s3], $0x3580, $0x38;
	[tilespmem:$0x1F000] =	vst v63  }
0x2d: {  	_ =	swait.ge [sflag:s18], $0x3580  }
0x2e: {  	[sflag:s18] =	ssyncset.done $0x0  }
0x2f: {  	s25 =	simm.s32 $0x3800;
	[sflag:s18] =	ssyncadd.s32 $0xFFFFCA80  }
0x30: {  	[tilespmem:s25], [sflag:$0x2] =	stream.linear.gather [hbm4b:s12+s3], $0x3580, $0x38;
	[tilespmem:$0x1F000] =	vst v63  }
0x31: {  	_ =	swait.ge [sflag:s18], $0x3580  }
0x32: {  	[sflag:s18] =	ssyncset.done $0x0  }
0x33: {  	[sflag:s18] =	ssyncadd.s32 $0xFFFFCA80  }
0x34: {  	[tilespmem:s17], [sflag:$0x1] =	stream.indirect.gather [hbm4b:s4+s19], $0x80, s3, s19, $0xb8;
	[tilespmem:$0x1F000] =	vst v63  }
0x35: {  	p1 =	sne.s32 s13, $0x1;
	_ =	swait.ge [sflag:s20], $0x4000  }
.Ltmp0:
0x36: {  	[sflag:s20] =	ssyncset.done $0x0;
	(pc) =	sbr.rel @!p1 .LBB2_3-.Ltmp0, $4  }
0x37: {  	[sflag:s20] =	ssyncadd.s32 $0xFFFFC000  }
0x38: {  	[spmem:s2] =	stream.indirect.scatter.add.f32 [tilespmem:s17], [sflag:$0x2], $0x80, s25, s19, $0xb8;
	[tilespmem:$0x1F000] =	vst v63  }
0x39: {  	_ =	swait.ge [sflag:s18], $0x4000  }
0x3a: {  	s26 =	sadd.s32 $0xFFFFFFFF, s13;
	s28 =	simm.s32 $0x0;
	[sflag:s18] =	ssyncset.done $0x0  }
.LBB2_2:
0x3b: {  	[sflag:s18] =	ssyncadd.s32 $0xFFFFC000;
	s28 =	sadd.s32 $0x80, s28;
	s25 =	sadd.s32 $0x80, s25  }
0x3c: {  	[tilespmem:s17], [sflag:$0x1] =	stream.indirect.gather [hbm4b:s4+s19], $0x80, s28, s19, $0xb8;
	[tilespmem:$0x1F000] =	vst v63  }
0x3d: {  	p1 =	sne.s32 s26, $0x1;
	s26 =	sadd.s32 $0xFFFFFFFF, s26;
	_ =	swait.ge [sflag:s20], $0x4000  }
.Ltmp1:
0x3e: {  	[sflag:s20] =	ssyncset.done $0x0;
	(pc) =	sbr.rel @p1 .LBB2_2-.Ltmp1, $4  }
0x3f: {  	[sflag:s20] =	ssyncadd.s32 $0xFFFFC000  }
0x40: {  	[spmem:s2] =	stream.indirect.scatter.add.f32 [tilespmem:s17], [sflag:$0x2], $0x80, s25, s19, $0xb8;
	[tilespmem:$0x1F000] =	vst v63  }
0x41: {  	_ =	swait.ge [sflag:s18], $0x4000  }
0x42: {  	[sflag:s18] =	ssyncset.done $0x0  }
.LBB2_3:
0x43: {  	[sflag:s18] =	ssyncadd.s32 $0xFFFFC000  }
0x44: {  	s25 =	simm.s32 @p0 $0x1FC2;
	[bflag:$0x0] =	sbarrier.arrive $0xFFFF  }
0x45: {  	[hbm:s15], [sflag:s25] =	dma.local @p0 [spmem:s21], $0x1900  }
0x46: {  	s25 =	simm.s32 @p0 $0x2  }
0x47: {  	s24 =	sadd.s32 $0x1, s24;
	_ =	swait.ge @p0 [sflag:s25], $0x1900  }
0x48: {  	p1 =	sne.s32 s24, s16;
	[sflag:s25] =	ssyncset.done @p0 $0x0  }
.Ltmp2:
0x49: {  	[sflag:s25] =	ssyncadd.s32 @p0 $0xFFFFE700;
	s25 =	simm.s32 @!p0 $0x2;
	(pc) =	sbr.rel @p1 .LBB2_1-.Ltmp2, $4  }
0x4a: {  	[hbm:s14], [sflag:s22] =	dma.local @!p0 [spmem:s23], $0x2800  }
0x4b: {  	_ =	swait.ge @!p0 [sflag:s25], $0x2800  }
0x4c: {  	[sflag:s25] =	ssyncset.done @!p0 $0x0  }
0x4d: {  	[sflag:s25] =	ssyncadd.s32 @!p0 $0xFFFFD800  }
0x4e: {  	_ =	sfence.sel $0x180000  }
0x4f: {  	[bflag:$0x0] =	sbarrier.arrive $0xFFFF  }
0x50: {  	p0 =	sne.s32 s0, $0x0;
	_ =	strace $0x9000004D  }
0x51: {  	s0 =	sadd.s32 @!p0 $0x100000, s1;
	[bflag:$0x2] =	sbarrier.arrive $0xFFFF  }
0x52: {  	[sflag:s0] =	ssyncadd.tile.s32 @!p0 $0x1;
	_ =	shalt  }
.Lfunc_end2:
_tile_overlayer_lowered:
.L_overlay_start_2:
0x53: {  	(tag) =	ssettag $0x2  }
0x54: {  	s0 =	rddreg [dreg:$0x0];
	s2 =	stileid.u32  }
0x55: {  	s1 =	rddreg [dreg:$0x1];
	p0 =	sne.s32 s2, $0x0  }
0x56: {  	s3 =	rddreg [dreg:$0x2];
	[bflag:$0x3] =	sbarrier.arrive $0xFFFF;
	s2 =	simm.s32 @!p0 $0x1C02  }
0x57: {  	[timem:s3], [sflag:s2] =	dma.local @!p0 [hbm:s0], s1  }
0x58: {  	s0 =	simm.s32 @!p0 $0x2  }
0x59: {  	_ =	swait.ge @!p0 [sflag:s0], s1  }
0x5a: {  	s1 =	ssub.s32 @!p0 $0x0, s1;
	[sflag:s0] =	ssyncset.done @!p0 $0x0  }
0x5b: {  	[sflag:s0] =	ssyncadd.s32 @!p0 s1  }
0x5c: {  	[bflag:$0x3] =	sbarrier.arrive $0xFFFF  }
0x5d: {  	_ =	shalt  }

// kernel: kernel.9.cloned.1.call-start
scs
__scs_entry_jumppad:
0x0: {  	(pc) =	sbr.rel $0x88, $3  }
0x1: {  	(tag) =	ssettag $0x0;
	lr =	simm.s32 $0x1  }
0x2: {  	[smem:$0x3F88] =	sst lr;
	_ =	strace $0xD0000000  }
0x3: {  	_ = 	snop  }
0x4: {  	_ = 	snop  }
0x5: {  	_ = 	snop  }
0x6: {  	_ = 	snop  }
0x7: {  	_ = 	snop  }
__scs_overlays_trampoline_lowered:
0x8: {  	[smem:$0x3F97] =	sst s0  }
0x9: {  	[smem:$0x3F98] =	sst s1  }
0xa: {  	[smem:$0x3F99] =	sst s2  }
0xb: {  	[smem:$0x3F9A] =	sst s3  }
0xc: {  	[smem:$0x3F9B] =	sst s4  }
0xd: {  	[smem:$0x3F9C] =	sst s5  }
0xe: {  	[smem:$0x3F9D] =	sst s6  }
0xf: {  	[smem:$0x3F9E] =	sst s7  }
0x10: {  	[smem:$0x3F9F] =	sst s8  }
0x11: {  	[smem:$0x3FA0] =	sst s9;
	s0 =	simm.s32 @!p0 $0x0  }
0x12: {  	s1 =	sld [smem:$0x3F86];
	s0 =	simm.s32 @p0 $0x1  }
0x13: {  	[smem:$0x3FA1] =	sst s0;
	s0 =	simm.s32 @!p1 $0x0  }
0x14: {  	s2 =	sld [smem:$0x3F85];
	s0 =	simm.s32 @p1 $0x1  }
0x15: {  	[smem:$0x3FA2] =	sst s0;
	s0 =	simm.s32 @!p2 $0x0  }
0x16: {  	s3 =	sld [smem:$0x3FDB];
	s0 =	simm.s32 @p2 $0x1  }
0x17: {  	s4 =	simm.s32 $0x1BF5;
	[smem:$0x3FA4] =	sst s0  }
0x18: {  	s0 =	sld [smem:$0x3F87];
	_ =	swait.ge [sflag:s4], $0x0  }
0x19: {  	s7 =	sld [smem:$0x3F88]  }
0x1a: {  	s8 =	sadd.s32 $0xFFFFE003, lr  }
0x1b: {  	s9 =	sadd.s32 $0xFFFFFEF7, lr;
	s5 =	simm.s32 $0xFFFFFFFF;
	p2 =	slt.u32 s8, $0xFFFFF086  }
0x1c: {  	p1 =	slt.u32 s9, $0xF7A;
	s5 =	simm.s32 @!p2 $0x0  }
0x1d: {  	s5 =	simm.s32 @p1 $0x1;
	p0 =	seq.s32 s7, s2  }
0x1e: {  	s7 =	smul.u32 @!p0 $0xF7A, s2;
	p2 =	seq.s32 @!p0 s5, $0x0  }
0x1f: {  	s9 =	smul.u32 $0xF7A, s1;
	s8 =	simm.s32 @!p0 $0x1BF5;
	p2 =	por !p2, p0  }
0x20: {  	[sflag:s8] =	ssyncset.s32 @!p0 $0xFFFFF086;
	s6 =	sadd.s32 @!p0 s3, s7;
	s7 =	simm.s32 @!p0 $0x108  }
0x21: {  	s3 =	sadd.s32 s3, s9;
	s6 =	sadd.s32 @!p0 $0x88, s6;
	s7 =	simm.s32 @p2 $0x1082  }
0x22: {  	[simem:s7], [sflag:s8] =	dma.local @!p0 [hbm:s6], $0xF7A  }
0x23: {  	s9 =	sor.u32 $0xD0000000, s2;
	s6 =	simm.s32 $0x108;
	_ =	swait.ge @!p0 [sflag:s8], $0x0  }
0x24: {  	s3 =	sadd.s32 $0x88, s3;
	s6 =	simm.s32 @!p1 $0x1082;
	[sflag:s4] =	ssyncset.s32 $0xFFFFF086  }
0x25: {  	[simem:s6], [sflag:s4] =	dma.local [hbm:s3], $0xF7A  }
0x26: {  	[smem:$0x3F88] =	sst s1;
	(tag) =	ssettag s2;
	_ =	strace s9  }
0x27: {  	s1 =	sld [smem:$0x3F98]  }
0x28: {  	s2 =	sld [smem:$0x3F99]  }
0x29: {  	s4 =	sld [smem:$0x3F9B]  }
0x2a: {  	p0 =	seq.s32 s5, $0x0;
	s5 =	sld [smem:$0x3F9C]  }
0x2b: {  	s6 =	sld [smem:$0x3F9D]  }
0x2c: {  	s7 =	sld [smem:$0x3F9E]  }
0x2d: {  	s3 =	simm.s32 $0x108;
	s8 =	sld [smem:$0x3F9F]  }
0x2e: {  	s3 =	simm.s32 @!p0 $0x1082;
	s9 =	sld [smem:$0x3FA0]  }
0x2f: {  	lr =	sadd.s32 s0, s3;
	s0 =	sld [smem:$0x3F97]  }
0x30: {  	s3 =	sld [smem:$0x3F9A]  }
0x31: {  	[smem:$0x3FA3] =	sst s10  }
0x32: {  	s10 =	sld [smem:$0x3FA1];
	_ =	sdelay $0x3  }
0x33: {  	p0 =	seq.s32 s10, $0x1;
	s10 =	sld [smem:$0x3FA3];
	_ =	sdelay $0x3  }
0x34: {  	[smem:$0x3FA3] =	sst s10  }
0x35: {  	s10 =	sld [smem:$0x3FA2];
	_ =	sdelay $0x3  }
0x36: {  	p1 =	seq.s32 s10, $0x1;
	s10 =	sld [smem:$0x3FA3];
	_ =	sdelay $0x3  }
0x37: {  	[smem:$0x3FA3] =	sst s10  }
0x38: {  	s10 =	sld [smem:$0x3FA4]  }
0x39: {  	_ = 	snop;
	(pc) =	sbr.ind lr, $3  }
0x3a: {  	_ = 	snop  }
0x3b: {  	_ = 	snop  }
0x3c: {  	p2 =	seq.s32 s10, $0x1;
	s10 =	sld [smem:$0x3FA3]  }
0x3d: {  	_ =	shalt  }
0x3e: {  	_ =	shalt  }
0x3f: {  	_ =	shalt  }
0x40: {  	_ =	shalt  }
0x41: {  	_ =	shalt  }
0x42: {  	_ =	shalt  }
0x43: {  	_ =	shalt  }
0x44: {  	_ =	shalt  }
0x45: {  	_ =	shalt  }
0x46: {  	_ =	shalt  }
0x47: {  	_ =	shalt  }
0x48: {  	_ =	shalt  }
0x49: {  	_ =	shalt  }
0x4a: {  	_ =	shalt  }
0x4b: {  	_ =	shalt  }
0x4c: {  	_ =	shalt  }
0x4d: {  	_ =	shalt  }
0x4e: {  	_ =	shalt  }
0x4f: {  	_ =	shalt  }
0x50: {  	_ =	shalt  }
0x51: {  	_ =	shalt  }
0x52: {  	_ =	shalt  }
0x53: {  	_ =	shalt  }
0x54: {  	_ =	shalt  }
0x55: {  	_ =	shalt  }
0x56: {  	_ =	shalt  }
0x57: {  	_ =	shalt  }
0x58: {  	_ =	shalt  }
0x59: {  	_ =	shalt  }
0x5a: {  	_ =	shalt  }
0x5b: {  	_ =	shalt  }
0x5c: {  	_ =	shalt  }
0x5d: {  	_ =	shalt  }
0x5e: {  	_ =	shalt  }
0x5f: {  	_ =	shalt  }
0x60: {  	_ =	shalt  }
0x61: {  	_ =	shalt  }
0x62: {  	_ =	shalt  }
0x63: {  	_ =	shalt  }
0x64: {  	_ =	shalt  }
0x65: {  	_ =	shalt  }
0x66: {  	_ =	shalt  }
0x67: {  	_ =	shalt  }
0x68: {  	_ =	shalt  }
0x69: {  	_ =	shalt  }
0x6a: {  	_ =	shalt  }
0x6b: {  	_ =	shalt  }
0x6c: {  	_ =	shalt  }
0x6d: {  	_ =	shalt  }
0x6e: {  	_ =	shalt  }
0x6f: {  	_ =	shalt  }
0x70: {  	_ =	shalt  }
0x71: {  	_ =	shalt  }
0x72: {  	_ =	shalt  }
0x73: {  	_ =	shalt  }
0x74: {  	_ =	shalt  }
0x75: {  	_ =	shalt  }
0x76: {  	_ =	shalt  }
0x77: {  	_ =	shalt  }
0x78: {  	_ =	shalt  }
0x79: {  	_ =	shalt  }
0x7a: {  	_ =	shalt  }
0x7b: {  	_ =	shalt  }
0x7c: {  	_ =	shalt  }
0x7d: {  	_ =	shalt  }
0x7e: {  	_ =	shalt  }
0x7f: {  	_ =	shalt  }
0x80: {  	_ =	shalt  }
0x81: {  	_ =	shalt  }
0x82: {  	_ =	shalt  }
0x83: {  	_ =	shalt  }
0x84: {  	_ =	shalt  }
0x85: {  	_ =	shalt  }
0x86: {  	_ =	shalt  }
0x87: {  	_ =	shalt  }
.Lfunc_end0:
.L_simem_size_0:
called_computation_lowered:
.L_overlay_start_0:
0x88: {  	s2 =	sld [smem:$0x3FD9]  }
0x89: {  	s3 =	sld [smem:$0x3FFE];
	_ =	sdelay $0x1  }
0x8a: {  	s1 =	srdreg.scid  }
0x8b: {  	s0 =	sand.u32 $0x1, s1  }
0x8c: {  	s16 =	sshll.u32 s0, $0xA;
	s2 =	sadd.s32 s3, s2  }
0x8d: {  	s2 =	sadd.s32 s2, s16  }
0x8e: {  	[smem:$0x3FAF] =	sst s2  }
0x8f: {  	_ = 	snop  }
0x90: {  	(tm) =	ssettm $0x1  }
0x91: {  	s17 =	sld [smem:$0x3FFB];
	_ =	sdelay $0x3  }
0x92: {  	_ =	strace s17  }
0x93: {  	s2 =	sld [smem:$0x3FFC];
	_ =	sdelay $0x3  }
0x94: {  	_ =	strace s2  }
0x95: {  	s2 =	sld [smem:$0x3FFD];
	_ =	sdelay $0x3  }
0x96: {  	_ =	strace s2  }
0x97: {  	_ =	strace $0x8FFFFFFF  }
0x98: {  	s18 =	sld [smem:$0x3FDB];
	_ =	sdelay $0x1  }
0x99: {  	s19 =	simm.s32 $_scs_section_size  }
0x9a: {  	s4 =	simm.s32 $_size__tile_overlayer_lowered;
	s5 =	simm.s32 $_tile_overlayer_lowered  }
0x9b: {  	s22 =	simm.s32 $0x1BFF;
	s21 =	sshll.u32 s5, $0x1;
	s2 =	sadd.s32 s19, s18  }
0x9c: {  	s6 =	simm.s32 $0x0;
	s20 =	sshll.u32 s4, $0x1;
	s4 =	sadd.s32 s21, s2  }
0x9d: {  	[timem:s6], [sflag:s22] =	dma.local [hbm:s4], s20  }
0x9e: {  	_ =	swait.ge [sflag:s22], s20  }
0x9f: {  	s3 =	ssub.s32 $0x0, s20;
	[sflag:s22] =	ssyncset.done $0x0  }
0xa0: {  	[sflag:s22] =	ssyncadd.s32 s3;
	_ =	sdelay $0x1  }
0xa1: {  	s23 =	simm.s32 $0x1B8B  }
0xa2: {  	_ =	swait.ge [sflag:s23], $0x1  }
0xa3: {  	[sflag:s23] =	ssyncset.done $0x0  }
0xa4: {  	s25 =	simm.s32 $0x1B8E;
	s24 =	sld [smem:$0x3FFE];
	[sflag:s23] =	ssyncadd.s32 $0xFFFFFFFF  }
0xa5: {  	s26 =	simm.s32 $execute0_lowered;
	[smem:$0x3FD2] =	sst s25  }
0xa6: {  	s4 =	sshll.u32 s26, $0x1;
	_ =	strace $0x80000046;
	[dreg:$0x1] =	wrdreg $0xFFFFFFFF  }
0xa7: {  	s28 =	simm.s32 $_size_execute0_lowered;
	s2 =	sadd.s32 s2, s4;
	[dreg:$0x0] =	wrdreg $0x0  }
0xa8: {  	s4 =	sshll.u32 s28, $0x1;
	[dreg:$0x2] =	wrdreg s2  }
0xa9: {  	[dreg:$0x3] =	wrdreg s4  }
0xaa: {  	[dreg:$0x4] =	wrdreg $0xC0  }
0xab: {  	_ =	task [dreg:s6], $0x5FFFF  }
0xac: {  	[dreg:$0x1] =	wrdreg $0xFFFFFFFF  }
0xad: {  	[dreg:$0x0] =	wrdreg $0x60  }
0xae: {  	[dreg:$0x2] =	wrdreg s24  }
0xaf: {  	[dreg:$0x3] =	wrdreg $0xB0000  }
0xb0: {  	[dreg:$0x4] =	wrdreg $0x9  }
0xb1: {  	_ =	task.clear_ibuf [dreg:s6], $0x5FFFF;
	_ =	strace $0x90000046  }
0xb2: {  	s29 =	simm.s32 $0x9;
	_ =	strace $0x80000048  }
0xb3: {  	_ =	swait.ge [sflag:s29], $0x1  }
0xb4: {  	[sflag:s29] =	ssyncadd.s32 $0xFFFFFFFF  }
0xb5: {  	_ =	strace $0x90000048  }
0xb6: {  	_ =	sfence  }
0xb7: {  	s30 =	sld [smem:$0x0];
	_ =	sdelay $0x2  }
0xb8: {  	s31 =	sshll.u32 s1, $0xD;
	s1 =	sshrl.u32 s1, $0x2  }
0xb9: {  	s3 =	sand.u32 $0x4000, s31;
	s1 =	sadd.s32 s1, s30  }
0xba: {  	s0 =	sor.u32 s3, s0;
	s1 =	sshll.u32 s1, $0x11  }
0xbb: {  	s0 =	sor.u32 s1, s0  }
0xbc: {  	s0 =	sadd.s32 $0x8F2B, s0  }
0xbd: {  	[sflag:s0] =	ssyncadd.remote.s32 $0x1  }
0xbe: {  	_ =	sfence.sel $0xFFFF  }
0xbf: {  	[dreg:$0x0] =	wrdreg $0xFFFFFFFF;
	(pc) =	sbr.abs _section_cstart, $3  }
0xc0: {  	[dreg:$0x1] =	wrdreg $0xFFFFFFFF  }
0xc1: {  	_ =	task.clear_ibuf [dreg:s6], $0x2FFFF;
	_ =	strace $0x9FFFFFFF  }
0xc2: {  	(tm) =	ssettm $0x7FFFFFFF  }
0xc3: {  	_ =	shalt  }
tec
execute0_lowered:
.L_overlay_start_1:
0x0: {  	(tag) =	ssettag $0x1  }
0x1: {  	s6 =	rddreg [dreg:$0x0]  }
0x2: {  	s0 =	srdreg.scid;
	s2 =	rddreg [dreg:$0x1]  }
0x3: {  	s3 =	simm.s32 $0x0;
	s18 =	simm.s32 $0x2;
	s19 =	simm.s32 $0x80  }
0x4: {  	s20 =	simm.s32 $0x1;
	s13 =	sand.u32 $0x1, s0;
	s0 =	stileid.u32  }
0x5: {  	s24 =	simm.s32 $0x0;
	[smem:$0x7FF] =	sst s3;
	s7 =	smul.u32 $0x50000, s0  }
0x6: {  	s14 =	sadd.s32 $0x48000, s6;
	s21 =	sadd.s32 $0x12C000, s2;
	s15 =	smul.u32 $0x138800, s13  }
0x7: {  	s1 =	sshll.u32 s13, $0x4;
	s8 =	ssub.s32 $0x2, s13;
	s17 =	smul.u32 $0x14000, s0  }
0x8: {  	p0 =	seq.s32 s13, $0x0;
	s13 =	simm.s32 $0x32;
	s4 =	sor.u32 s0, s1  }
0x9: {  	s1 =	rddreg [dreg:$0x2];
	_ =	strace $0x80000047;
	s9 =	sshrl.u32 s8, $0x1  }
0xa: {  	s13 =	simm.s32 @!p0 $0x6B;
	p0 =	seq.s32 s0, $0xF;
	s5 =	smul.u32 $0x700, s4  }
0xb: {  	s4 =	sadd.s32 $0x20600, s6;
	s7 =	sshrl.u32 s7, $0x2;
	s16 =	ssub.s32 s8, s9  }
0xc: {  	s17 =	sadd.s32 s17, s15;
	s15 =	sshrl.u32 s15, $0x3;
	s21 =	sshrl.u32 @p0 s21, $0x3  }
0xd: {  	s22 =	sshll.u32 @!p0 s0, $0x6;
	s17 =	sshrl.u32 s17, $0x3;
	s15 =	sadd.s32 s14, s15  }
0xe: {  	s16 =	smax.u32 s16, $0x1;
	s22 =	sor.u32 @!p0 $0x1C02, s22;
	s12 =	sadd.s32 s5, s6  }
0xf: {  	s5 =	sadd.s32 $0x47800, s6;
	s6 =	sadd.s32 s7, s2;
	s14 =	sadd.s32 s14, s17  }
0x10: {  	s15 =	sadd.s32 $0x25800, s15;
	s17 =	simm.s32 $0x7000;
	s7 =	sadd.s32 $0x4000, s6  }
0x11: {  	s8 =	sadd.s32 $0x8000, s6;
	s9 =	sadd.s32 $0xC000, s6;
	s10 =	sadd.s32 $0x10000, s6  }
0x12: {  	s11 =	sadd.s32 $0x12600, s12;
	s12 =	sadd.s32 $0x4600, s12;
	s23 =	sshrl.u32 @!p0 s6, $0x3  }
.LBB2_1:
0x13: {  	[tilespmem:s17], [sflag:$0x2] =	stream.linear.gather [hbm4b:s5+s3], $0x4000, $0x38;
	[tilespmem:$0x1F000] =	vst v63  }
0x14: {  	_ =	swait.ge [sflag:s18], $0x4000  }
0x15: {  	[sflag:s18] =	ssyncset.done $0x0  }
0x16: {  	[sflag:s18] =	ssyncadd.s32 $0xFFFFC000  }
0x17: {  	[spmem:s6] =	stream.linear.scatter [tilespmem:s17], [sflag:$0x2], $0x4000, $0x38;
	[tilespmem:$0x1F000] =	vst v63  }
0x18: {  	_ =	swait.ge [sflag:s18], $0x4000  }
0x19: {  	[sflag:s18] =	ssyncset.done $0x0  }
0x1a: {  	[sflag:s18] =	ssyncadd.s32 $0xFFFFC000  }
0x1b: {  	[spmem:s7] =	stream.linear.scatter [tilespmem:s17], [sflag:$0x2], $0x4000, $0x38;
	[tilespmem:$0x1F000] =	vst v63  }
0x1c: {  	_ =	swait.ge [sflag:s18], $0x4000  }
0x1d: {  	[sflag:s18] =	ssyncset.done $0x0  }
0x1e: {  	[sflag:s18] =	ssyncadd.s32 $0xFFFFC000  }
0x1f: {  	[spmem:s8] =	stream.linear.scatter [tilespmem:s17], [sflag:$0x2], $0x4000, $0x38;
	[tilespmem:$0x1F000] =	vst v63  }
0x20: {  	_ =	swait.ge [sflag:s18], $0x4000  }
0x21: {  	[sflag:s18] =	ssyncset.done $0x0  }
0x22: {  	[sflag:s18] =	ssyncadd.s32 $0xFFFFC000  }
0x23: {  	[spmem:s9] =	stream.linear.scatter [tilespmem:s17], [sflag:$0x2], $0x4000, $0x38;
	[tilespmem:$0x1F000] =	vst v63  }
0x24: {  	_ =	swait.ge [sflag:s18], $0x4000  }
0x25: {  	[sflag:s18] =	ssyncset.done $0x0  }
0x26: {  	[sflag:s18] =	ssyncadd.s32 $0xFFFFC000  }
0x27: {  	[spmem:s10] =	stream.linear.scatter [tilespmem:s17], [sflag:$0x2], $0x4000, $0x38;
	[tilespmem:$0x1F000] =	vst v63  }
0x28: {  	_ =	swait.ge [sflag:s18], $0x4000  }
0x29: {  	[sflag:s18] =	ssyncset.done $0x0  }
0x2a: {  	[sflag:s18] =	ssyncadd.s32 $0xFFFFC000  }
0x2b: {  	[bflag:$0x0] =	sbarrier.arrive $0xFFFF  }
0x2c: {  	[tilespmem:s3], [sflag:$0x2] =	stream.linear.gather [hbm4b:s11+s3], $0x3580, $0x38;
	[tilespmem:$0x1F000] =	vst v63  }
0x2d: {  	_ =	swait.ge [sflag:s18], $0x3580  }
0x2e: {  	[sflag:s18] =	ssyncset.done $0x0  }
0x2f: {  	s25 =	simm.s32 $0x3800;
	[sflag:s18] =	ssyncadd.s32 $0xFFFFCA80  }
0x30: {  	[tilespmem:s25], [sflag:$0x2] =	stream.linear.gather [hbm4b:s12+s3], $0x3580, $0x38;
	[tilespmem:$0x1F000] =	vst v63  }
0x31: {  	_ =	swait.ge [sflag:s18], $0x3580  }
0x32: {  	[sflag:s18] =	ssyncset.done $0x0  }
0x33: {  	[sflag:s18] =	ssyncadd.s32 $0xFFFFCA80  }
0x34: {  	[tilespmem:s17], [sflag:$0x1] =	stream.indirect.gather [hbm4b:s4+s19], $0x80, s3, s19, $0xb8;
	[tilespmem:$0x1F000] =	vst v63  }
0x35: {  	p1 =	sne.s32 s13, $0x1;
	_ =	swait.ge [sflag:s20], $0x4000  }
.Ltmp0:
0x36: {  	[sflag:s20] =	ssyncset.done $0x0;
	(pc) =	sbr.rel @!p1 .LBB2_3-.Ltmp0, $4  }
0x37: {  	[sflag:s20] =	ssyncadd.s32 $0xFFFFC000  }
0x38: {  	[spmem:s2] =	stream.indirect.scatter.add.f32 [tilespmem:s17], [sflag:$0x2], $0x80, s25, s19, $0xb8;
	[tilespmem:$0x1F000] =	vst v63  }
0x39: {  	_ =	swait.ge [sflag:s18], $0x4000  }
0x3a: {  	s26 =	sadd.s32 $0xFFFFFFFF, s13;
	s28 =	simm.s32 $0x0;
	[sflag:s18] =	ssyncset.done $0x0  }
.LBB2_2:
0x3b: {  	[sflag:s18] =	ssyncadd.s32 $0xFFFFC000;
	s28 =	sadd.s32 $0x80, s28;
	s25 =	sadd.s32 $0x80, s25  }
0x3c: {  	[tilespmem:s17], [sflag:$0x1] =	stream.indirect.gather [hbm4b:s4+s19], $0x80, s28, s19, $0xb8;
	[tilespmem:$0x1F000] =	vst v63  }
0x3d: {  	p1 =	sne.s32 s26, $0x1;
	s26 =	sadd.s32 $0xFFFFFFFF, s26;
	_ =	swait.ge [sflag:s20], $0x4000  }
.Ltmp1:
0x3e: {  	[sflag:s20] =	ssyncset.done $0x0;
	(pc) =	sbr.rel @p1 .LBB2_2-.Ltmp1, $4  }
0x3f: {  	[sflag:s20] =	ssyncadd.s32 $0xFFFFC000  }
0x40: {  	[spmem:s2] =	stream.indirect.scatter.add.f32 [tilespmem:s17], [sflag:$0x2], $0x80, s25, s19, $0xb8;
	[tilespmem:$0x1F000] =	vst v63  }
0x41: {  	_ =	swait.ge [sflag:s18], $0x4000  }
0x42: {  	[sflag:s18] =	ssyncset.done $0x0  }
.LBB2_3:
0x43: {  	[sflag:s18] =	ssyncadd.s32 $0xFFFFC000  }
0x44: {  	s25 =	simm.s32 @p0 $0x1FC2;
	[bflag:$0x0] =	sbarrier.arrive $0xFFFF  }
0x45: {  	[hbm:s15], [sflag:s25] =	dma.local @p0 [spmem:s21], $0x1900  }
0x46: {  	s25 =	simm.s32 @p0 $0x2  }
0x47: {  	s24 =	sadd.s32 $0x1, s24;
	_ =	swait.ge @p0 [sflag:s25], $0x1900  }
0x48: {  	p1 =	sne.s32 s24, s16;
	[sflag:s25] =	ssyncset.done @p0 $0x0  }
.Ltmp2:
0x49: {  	[sflag:s25] =	ssyncadd.s32 @p0 $0xFFFFE700;
	s25 =	simm.s32 @!p0 $0x2;
	(pc) =	sbr.rel @p1 .LBB2_1-.Ltmp2, $4  }
0x4a: {  	[hbm:s14], [sflag:s22] =	dma.local @!p0 [spmem:s23], $0x2800  }
0x4b: {  	_ =	swait.ge @!p0 [sflag:s25], $0x2800  }
0x4c: {  	[sflag:s25] =	ssyncset.done @!p0 $0x0  }
0x4d: {  	[sflag:s25] =	ssyncadd.s32 @!p0 $0xFFFFD800  }
0x4e: {  	_ =	sfence.sel $0x180000  }
0x4f: {  	[bflag:$0x0] =	sbarrier.arrive $0xFFFF  }
0x50: {  	p0 =	sne.s32 s0, $0x0;
	_ =	strace $0x90000047  }
0x51: {  	s0 =	sadd.s32 @!p0 $0x100000, s1;
	[bflag:$0x2] =	sbarrier.arrive $0xFFFF  }
0x52: {  	[sflag:s0] =	ssyncadd.tile.s32 @!p0 $0x1;
	_ =	shalt  }
.Lfunc_end2:
_tile_overlayer_lowered:
.L_overlay_start_2:
0x53: {  	(tag) =	ssettag $0x2  }
0x54: {  	s0 =	rddreg [dreg:$0x0];
	s2 =	stileid.u32  }
0x55: {  	s1 =	rddreg [dreg:$0x1];
	p0 =	sne.s32 s2, $0x0  }
0x56: {  	s3 =	rddreg [dreg:$0x2];
	[bflag:$0x3] =	sbarrier.arrive $0xFFFF;
	s2 =	simm.s32 @!p0 $0x1C02  }
0x57: {  	[timem:s3], [sflag:s2] =	dma.local @!p0 [hbm:s0], s1  }
0x58: {  	s0 =	simm.s32 @!p0 $0x2  }
0x59: {  	_ =	swait.ge @!p0 [sflag:s0], s1  }
0x5a: {  	s1 =	ssub.s32 @!p0 $0x0, s1;
	[sflag:s0] =	ssyncset.done @!p0 $0x0  }
0x5b: {  	[sflag:s0] =	ssyncadd.s32 @!p0 s1  }
0x5c: {  	[bflag:$0x3] =	sbarrier.arrive $0xFFFF  }
0x5d: {  	_ =	shalt  }

</sc_bundles>
